<compile_context>
chip_gen: v7x
topology: tpu7x:2x2x1
jax: 0.10.2.dev20260603
libtpu: 0.0.44.dev20260713+nightly
codegen_flags: <defaults>
</compile_context>

<pallas_src>
import functools

import jax
import jax.numpy as jnp
from jax import lax
from jax.experimental import pallas as pl
from jax.experimental.pallas import tpu as pltpu
from jax.experimental.pallas import tpu_sc as plsc

N = 10000
E = 320000
D = 128
DN = 142
NC = 2
NS = 16
NW = NC * NS
EPW = E // NW
CH = 96
NCH = 104
TL = EPW - NCH * CH
NP = 10112
RPT = NP // NS



def _proj_body(x_ref, w_ref, o_ref):
    o_ref[...] = jnp.dot(x_ref[...], w_ref[...],
                         preferred_element_type=jnp.float32,
                         precision=lax.Precision.HIGHEST)


def _project(x, w_node):
    return pl.pallas_call(
        _proj_body,
        grid=(5,),
        in_specs=[
            pl.BlockSpec((2000, DN), lambda i: (i, 0)),
            pl.BlockSpec((DN, D), lambda i: (0, 0)),
        ],
        out_specs=pl.BlockSpec((2000, D), lambda i: (i, 0)),
        out_shape=jax.ShapeDtypeStruct((N, D), jnp.float32),
    )(x, w_node)



def _edge_proj_body(at_ref, w_ref, o_ref):
    o_ref[...] = lax.dot_general(
        at_ref[...], w_ref[...], (((0,), (0,)), ((), ())),
        preferred_element_type=jnp.float32,
        precision=lax.Precision.DEFAULT)


def _edge_proj(attr_t8, we8):
    return pl.pallas_call(
        _edge_proj_body,
        grid=(20,),
        in_specs=[
            pl.BlockSpec((8, 16000), lambda i: (0, i)),
            pl.BlockSpec((8, D), lambda i: (0, 0)),
        ],
        out_specs=pl.BlockSpec((16000, D), lambda i: (i, 0)),
        out_shape=jax.ShapeDtypeStruct((E, D), jnp.float32),
    )(attr_t8, we8)



_MESH = plsc.VectorSubcoreMesh(core_axis_name="c", subcore_axis_name="s")


@functools.partial(
    pl.kernel,
    mesh=_MESH,
    out_type=jax.ShapeDtypeStruct((NC, NP, D), jnp.float32),
    scratch_types=[
        pltpu.VMEM((CH,), jnp.int32),
        pltpu.VMEM((CH,), jnp.int32),
        pltpu.VMEM((CH,), jnp.int32),
        pltpu.VMEM((CH,), jnp.int32),
        pltpu.VMEM((CH, D), jnp.float32),
        pltpu.VMEM((CH, D), jnp.float32),
        pltpu.VMEM((CH, D), jnp.float32),
        pltpu.VMEM((CH, D), jnp.float32),
        pltpu.VMEM((TL,), jnp.int32),
        pltpu.VMEM((TL,), jnp.int32),
        pltpu.VMEM_SHARED((NP, D), jnp.float32),
        pltpu.SemaphoreType.DMA,
        pltpu.SemaphoreType.DMA,
        pltpu.SemaphoreType.DMA,
        pltpu.SemaphoreType.DMA,
    ],
)
def _sc_agg(h_hbm, p_hbm, src_hbm, dst_hbm, z128_hbm, agg_out,
            src_a, dst_a, src_b, dst_b, rows_a, rows_b, p_a, p_b,
            src_t, dst_t, acc,
            sem_la, sem_lb, sem_ga, sem_gb):
    cid = lax.axis_index("c")
    sid = lax.axis_index("s")
    wid = cid * NS + sid
    row0 = pl.multiple_of(sid * RPT, 8)
    e0 = pl.multiple_of(wid * EPW, 8)

    def start_loads(c, src_x, dst_x, p_x, sem):
        base = pl.multiple_of(e0 + c * CH, 8)
        pltpu.async_copy(src_hbm.at[pl.ds(base, CH)], src_x, sem)
        pltpu.async_copy(dst_hbm.at[pl.ds(base, CH)], dst_x, sem)
        pltpu.async_copy(p_hbm.at[pl.ds(base, CH)], p_x, sem)

    def wait_loads(src_x, dst_x, p_x, sem):
        pltpu.make_async_copy(src_hbm.at[pl.ds(0, CH)], src_x, sem).wait()
        pltpu.make_async_copy(dst_hbm.at[pl.ds(0, CH)], dst_x, sem).wait()
        pltpu.make_async_copy(p_hbm.at[pl.ds(0, CH)], p_x, sem).wait()

    def scatter(rows_x, p_x, dst_x):
        pltpu.sync_copy(rows_x, acc.at[dst_x], add=True)
        pltpu.sync_copy(p_x, acc.at[dst_x], add=True)

    start_loads(0, src_a, dst_a, p_a, sem_la)
    pltpu.sync_copy(z128_hbm.at[pl.ds(row0, RPT)], acc.at[pl.ds(row0, RPT)])
    plsc.subcore_barrier()

    def body(i, carry):
        wait_loads(src_a, dst_a, p_a, sem_la)
        pltpu.async_copy(h_hbm.at[src_a], rows_a, sem_ga)

        @pl.when(i > 0)
        def _():
            pltpu.make_async_copy(h_hbm.at[src_b], rows_b, sem_gb).wait()
            scatter(rows_b, p_b, dst_b)

        start_loads(2 * i + 1, src_b, dst_b, p_b, sem_lb)
        wait_loads(src_b, dst_b, p_b, sem_lb)
        pltpu.async_copy(h_hbm.at[src_b], rows_b, sem_gb)

        pltpu.make_async_copy(h_hbm.at[src_a], rows_a, sem_ga).wait()
        scatter(rows_a, p_a, dst_a)

        @pl.when(i < NCH // 2 - 1)
        def _():
            start_loads(2 * i + 2, src_a, dst_a, p_a, sem_la)

        return carry

    lax.fori_loop(0, NCH // 2, body, 0)

    pltpu.make_async_copy(h_hbm.at[src_b], rows_b, sem_gb).wait()
    scatter(rows_b, p_b, dst_b)

    tbase = pl.multiple_of(e0 + NCH * CH, 8)
    pltpu.sync_copy(src_hbm.at[pl.ds(tbase, TL)], src_t)
    pltpu.sync_copy(dst_hbm.at[pl.ds(tbase, TL)], dst_t)
    pltpu.async_copy(h_hbm.at[src_t], rows_a.at[pl.ds(0, TL)], sem_ga).wait()
    pltpu.sync_copy(p_hbm.at[pl.ds(tbase, TL)], p_a.at[pl.ds(0, TL)])
    pltpu.sync_copy(rows_a.at[pl.ds(0, TL)], acc.at[dst_t], add=True)
    pltpu.sync_copy(p_a.at[pl.ds(0, TL)], acc.at[dst_t], add=True)

    plsc.subcore_barrier()

    pltpu.sync_copy(acc.at[pl.ds(row0, RPT)],
                    agg_out.at[cid, pl.ds(row0, RPT)])



def _fin_body(h_ref, agg_ref, wo_ref, b_ref, o_ref):
    emb = jnp.maximum(h_ref[...] + agg_ref[0] + agg_ref[1], 0.0)
    logit = jnp.dot(emb, wo_ref[...], preferred_element_type=jnp.float32,
                    precision=lax.Precision.HIGHEST) + b_ref[0, 0]
    o_ref[...] = jax.nn.sigmoid(logit)


def _finish(h, agg, w_out, b2):
    return pl.pallas_call(
        _fin_body,
        grid=(5,),
        in_specs=[
            pl.BlockSpec((2000, D), lambda i: (i, 0)),
            pl.BlockSpec((NC, 2000, D), lambda i: (0, i, 0)),
            pl.BlockSpec((D, 1), lambda i: (0, 0)),
            pl.BlockSpec(memory_space=pltpu.SMEM),
        ],
        out_specs=pl.BlockSpec((2000, 1), lambda i: (i, 0)),
        out_shape=jax.ShapeDtypeStruct((N, 1), jnp.float32),
    )(h, agg, w_out, b2)



def kernel(x, edge_index, edge_attr, W_node, W_edge, W_out, b_out):
    ei = edge_index.astype(jnp.int32)
    src = ei[0]
    dst = ei[1]
    z128 = jnp.zeros((NP, D), jnp.float32)

    attr_t8 = jnp.pad(edge_attr.T, ((0, 3), (0, 0)))
    we8 = jnp.pad(W_edge, ((0, 3), (0, 0)))

    h = _project(x, W_node)
    p = _edge_proj(attr_t8, we8)
    agg = _sc_agg(h, p, src, dst, z128)

    return _finish(h, agg, W_out, b_out.reshape(1, 1)).reshape(N)

# --- scband reference (transcript-rebuilt; emitter-appended) ---
"""Pipeline reference for scband-scoring-model-13022340842079 (READ-ONLY COPY).

The authoritative reference and input builder live on the scoring server;
editing this copy changes nothing except your own understanding.
"""

import jax, jax.numpy as jnp
import numpy as np

N_NODES = 10000
N_EDGES = 320000
D_NODE = 142
D_EDGE = 5
D_HID = 128


def setup_inputs(seed: int = 0) -> dict:
    key = jax.random.key(seed)
    ks = jax.random.split(key, 8)
    x = jax.random.normal(ks[0], (N_NODES, D_NODE), dtype=jnp.float32)
    edge_index = jax.random.randint(ks[1], (2, N_EDGES), 0, N_NODES)
    edge_attr = jax.random.uniform(ks[2], (N_EDGES, D_EDGE), dtype=jnp.float32)
    # learned parameters (GraphEmbeddingModel approx + output layer)
    W_node = jax.random.normal(ks[3], (D_NODE, D_HID), dtype=jnp.float32) * 0.05
    W_edge = jax.random.normal(ks[4], (D_EDGE, D_HID), dtype=jnp.float32) * 0.05
    W_out = jax.random.normal(ks[5], (D_HID, 1), dtype=jnp.float32) * 0.05
    b_out = jnp.zeros((1,), dtype=jnp.float32)
    return {"x": x, "edge_index": edge_index, "edge_attr": edge_attr,
            "W_node": W_node, "W_edge": W_edge, "W_out": W_out, "b_out": b_out}


def reference(x, edge_index, edge_attr, W_node, W_edge, W_out, b_out):
    # GraphEmbeddingModel: project node features, gather over edges,
    # fuse edge features, scatter-add messages to destination nodes.
    src = edge_index[0]
    dst = edge_index[1]
    h = x @ W_node                                   # [N, 128]
    msg = jnp.take(h, src, axis=0) + edge_attr @ W_edge  # [E, 128] gather
    agg = jax.ops.segment_sum(msg, dst, num_segments=h.shape[0])  # scatter-add
    emb = jax.nn.relu(h + agg)                       # node embeddings [N, 128]
    # output_layer + Sigmoid, squeezed to per-node score (b-factor prediction)
    logits = (emb @ W_out + b_out).squeeze(-1)       # [N]
    return jax.nn.sigmoid(logits)

if __name__ == "__main__":
    import jax
    _d = setup_inputs()
    print(jax.jit(kernel)(*tuple(_d.values())))

</pallas_src>

<mosaic_0001>
#map = affine_map<(d0, d1) -> (0, 0)>
#map1 = affine_map<(d0, d1) -> (0)>
#map2 = affine_map<(d0, d1) -> (0, 0, 0)>
module attributes {stable_mosaic.version = 14 : i64} {
  func.func @_sc_agg(%arg0: i32, %arg1: i32, %arg2: memref<10000x128xf32, #tpu.memory_space<hbm>>, %arg3: memref<320000x128xf32, #tpu.memory_space<hbm>>, %arg4: memref<320000xi32, #tpu.memory_space<hbm>>, %arg5: memref<320000xi32, #tpu.memory_space<hbm>>, %arg6: memref<10112x128xf32, #tpu.memory_space<hbm>>, %arg7: memref<2x10112x128xf32, #tpu.memory_space<hbm>>, %arg8: memref<96xi32, #tpu.memory_space<vmem>>, %arg9: memref<96xi32, #tpu.memory_space<vmem>>, %arg10: memref<96xi32, #tpu.memory_space<vmem>>, %arg11: memref<96xi32, #tpu.memory_space<vmem>>, %arg12: memref<96x128xf32, #tpu.memory_space<vmem>>, %arg13: memref<96x128xf32, #tpu.memory_space<vmem>>, %arg14: memref<96x128xf32, #tpu.memory_space<vmem>>, %arg15: memref<96x128xf32, #tpu.memory_space<vmem>>, %arg16: memref<16xi32, #tpu.memory_space<vmem>>, %arg17: memref<16xi32, #tpu.memory_space<vmem>>, %arg18: memref<10112x128xf32, #tpu.memory_space<vmem_shared>>, %arg19: memref<!tpu.dma_semaphore, #tpu.memory_space<semaphore_mem>>, %arg20: memref<!tpu.dma_semaphore, #tpu.memory_space<semaphore_mem>>, %arg21: memref<!tpu.dma_semaphore, #tpu.memory_space<semaphore_mem>>, %arg22: memref<!tpu.dma_semaphore, #tpu.memory_space<semaphore_mem>>) attributes {dimension_semantics = [#tpu.dimension_semantics<core_parallel>, #tpu.dimension_semantics<subcore_parallel>], iteration_bounds = array<i64: 2, 16>, scalar_prefetch = 0 : i64, scratch_operands = 15 : i64, tpu.core_type = #tpu.core_type<sc_vector_subcore>, window_params = [{transform_indices = #map}, {transform_indices = #map}, {transform_indices = #map1}, {transform_indices = #map1}, {transform_indices = #map}, {transform_indices = #map2}]} {
    %mul3A = arith.constant 16 : i32
    %mul3A_0 = arith.muli %arg0, %mul3A : i32
    %add3A = arith.addi %mul3A_0, %arg1 : i32
    %mul3A_1 = arith.constant 632 : i32
    %mul3A_2 = arith.muli %arg1, %mul3A_1 : i32
    %multiple_of3A = tpu.assume_multiple %mul3A_2, 8 : i32
    %mul3A_3 = arith.constant 10000 : i32
    %mul3A_4 = arith.muli %add3A, %mul3A_3 : i32
    %multiple_of3A_5 = tpu.assume_multiple %mul3A_4, 8 : i32
    %add3A_6 = arith.constant 0 : i32
    %add3A_7 = arith.addi %multiple_of3A_5, %add3A_6 : i32
    %multiple_of3A_8 = tpu.assume_multiple %add3A_7, 8 : i32
    %dma_start3A = tpu.memref_slice %arg4[%multiple_of3A_8] : memref<320000xi32, #tpu.memory_space<hbm>> -> memref<96xi32, #tpu.memory_space<hbm>>
    %dma_start3A_9 = tpu.memref_slice %arg4[%multiple_of3A_8] : memref<320000xi32, #tpu.memory_space<hbm>> -> memref<96xi32, #tpu.memory_space<hbm>>
    tpu.enqueue_dma source(%dma_start3A_9 : memref<96xi32, #tpu.memory_space<hbm>>) target(%arg8 : memref<96xi32, #tpu.memory_space<vmem>>) target_semaphore(%arg19 : memref<!tpu.dma_semaphore, #tpu.memory_space<semaphore_mem>>)
    %dma_start3A_10 = tpu.memref_slice %arg5[%multiple_of3A_8] : memref<320000xi32, #tpu.memory_space<hbm>> -> memref<96xi32, #tpu.memory_space<hbm>>
    %dma_start3A_11 = tpu.memref_slice %arg5[%multiple_of3A_8] : memref<320000xi32, #tpu.memory_space<hbm>> -> memref<96xi32, #tpu.memory_space<hbm>>
    tpu.enqueue_dma source(%dma_start3A_11 : memref<96xi32, #tpu.memory_space<hbm>>) target(%arg9 : memref<96xi32, #tpu.memory_space<vmem>>) target_semaphore(%arg19 : memref<!tpu.dma_semaphore, #tpu.memory_space<semaphore_mem>>)
    %dma_start3A_12 = arith.constant 0 : i32
    %dma_start3A_13 = tpu.memref_slice %arg3[%multiple_of3A_8, %dma_start3A_12] : memref<320000x128xf32, #tpu.memory_space<hbm>> -> memref<96x128xf32, #tpu.memory_space<hbm>>
    %dma_start3A_14 = arith.constant 0 : i32
    %dma_start3A_15 = tpu.memref_slice %arg3[%multiple_of3A_8, %dma_start3A_14] : memref<320000x128xf32, #tpu.memory_space<hbm>> -> memref<96x128xf32, #tpu.memory_space<hbm>>
    tpu.enqueue_dma source(%dma_start3A_15 : memref<96x128xf32, #tpu.memory_space<hbm>>) target(%arg14 : memref<96x128xf32, #tpu.memory_space<vmem>>) target_semaphore(%arg19 : memref<!tpu.dma_semaphore, #tpu.memory_space<semaphore_mem>>)
    "tpu.region"() ({
      %run_scoped3A = tpu.sem_alloc : memref<!tpu.dma_semaphore, #tpu.memory_space<semaphore_mem>>
      %dma_start3A_39 = arith.constant 0 : i32
      %dma_start3A_40 = tpu.memref_slice %arg18[%multiple_of3A, %dma_start3A_39] : memref<10112x128xf32, #tpu.memory_space<vmem_shared>> -> memref<632x128xf32, #tpu.memory_space<vmem_shared>>
      %dma_start3A_41 = arith.constant 0 : i32
      %dma_start3A_42 = tpu.memref_slice %arg6[%multiple_of3A, %dma_start3A_41] : memref<10112x128xf32, #tpu.memory_space<hbm>> -> memref<632x128xf32, #tpu.memory_space<hbm>>
      tpu.enqueue_dma source(%dma_start3A_42 : memref<632x128xf32, #tpu.memory_space<hbm>>) target(%dma_start3A_40 : memref<632x128xf32, #tpu.memory_space<vmem_shared>>) target_semaphore(%run_scoped3A : memref<!tpu.dma_semaphore, #tpu.memory_space<semaphore_mem>>)
      %dma_wait3A_43 = arith.constant 0 : i32
      %dma_wait3A_44 = tpu.memref_slice %arg18[%multiple_of3A, %dma_wait3A_43] : memref<10112x128xf32, #tpu.memory_space<vmem_shared>> -> memref<632x128xf32, #tpu.memory_space<vmem_shared>>
      %dma_wait3A_45 = arith.constant 0 : i32
      %dma_wait3A_46 = tpu.memref_slice %arg6[%multiple_of3A, %dma_wait3A_45] : memref<10112x128xf32, #tpu.memory_space<hbm>> -> memref<632x128xf32, #tpu.memory_space<hbm>>
      tpu.wait_dma2 semaphore(%run_scoped3A : memref<!tpu.dma_semaphore, #tpu.memory_space<semaphore_mem>>) src(%dma_wait3A_46 : memref<632x128xf32, #tpu.memory_space<hbm>>) dst(%dma_wait3A_44 : memref<632x128xf32, #tpu.memory_space<vmem_shared>>)
      tpu.yield
    }) : () -> ()
    %barrier3A = arith.constant 0 : index
    tpu.barrier barrier_id(%barrier3A)
    %scan3A = arith.constant 0 : i32
    %scan3A_16 = arith.constant 0 : i32
    %scan3A_17 = arith.constant 52 : i32
    %scan3A_18 = arith.addi %scan3A_16, %scan3A_17 : i32
    %scan3A_19 = arith.constant 1 : i32
    scf.for %scan3A_39 = %scan3A_16 to %scan3A_18 step %scan3A_19  : i32 {
      %dma_wait3A_40 = arith.constant 0 : i32
      %dma_wait3A_41 = tpu.memref_slice %arg4[%dma_wait3A_40] : memref<320000xi32, #tpu.memory_space<hbm>> -> memref<96xi32, #tpu.memory_space<hbm>>
      %dma_wait3A_42 = arith.constant 0 : i32
      %dma_wait3A_43 = tpu.memref_slice %arg4[%dma_wait3A_42] : memref<320000xi32, #tpu.memory_space<hbm>> -> memref<96xi32, #tpu.memory_space<hbm>>
      tpu.wait_dma2 semaphore(%arg19 : memref<!tpu.dma_semaphore, #tpu.memory_space<semaphore_mem>>) src(%dma_wait3A_43 : memref<96xi32, #tpu.memory_space<hbm>>) dst(%arg8 : memref<96xi32, #tpu.memory_space<vmem>>)
      %dma_wait3A_44 = arith.constant 0 : i32
      %dma_wait3A_45 = tpu.memref_slice %arg5[%dma_wait3A_44] : memref<320000xi32, #tpu.memory_space<hbm>> -> memref<96xi32, #tpu.memory_space<hbm>>
      %dma_wait3A_46 = arith.constant 0 : i32
      %dma_wait3A_47 = tpu.memref_slice %arg5[%dma_wait3A_46] : memref<320000xi32, #tpu.memory_space<hbm>> -> memref<96xi32, #tpu.memory_space<hbm>>
      tpu.wait_dma2 semaphore(%arg19 : memref<!tpu.dma_semaphore, #tpu.memory_space<semaphore_mem>>) src(%dma_wait3A_47 : memref<96xi32, #tpu.memory_space<hbm>>) dst(%arg9 : memref<96xi32, #tpu.memory_space<vmem>>)
      %dma_wait3A_48 = arith.constant 0 : i32
      %dma_wait3A_49 = arith.constant 0 : i32
      %dma_wait3A_50 = tpu.memref_slice %arg3[%dma_wait3A_48, %dma_wait3A_49] : memref<320000x128xf32, #tpu.memory_space<hbm>> -> memref<96x128xf32, #tpu.memory_space<hbm>>
      %dma_wait3A_51 = arith.constant 0 : i32
      %dma_wait3A_52 = arith.constant 0 : i32
      %dma_wait3A_53 = tpu.memref_slice %arg3[%dma_wait3A_51, %dma_wait3A_52] : memref<320000x128xf32, #tpu.memory_space<hbm>> -> memref<96x128xf32, #tpu.memory_space<hbm>>
      tpu.wait_dma2 semaphore(%arg19 : memref<!tpu.dma_semaphore, #tpu.memory_space<semaphore_mem>>) src(%dma_wait3A_53 : memref<96x128xf32, #tpu.memory_space<hbm>>) dst(%arg14 : memref<96x128xf32, #tpu.memory_space<vmem>>)
      %dma_start3A_54 = arith.constant 0 : i32
      %dma_start3A_55 = arith.constant 0 : i32
      %dma_start3A_56 = tpu.memref_slice %arg2[%dma_start3A_54, %dma_start3A_55] : memref<10000x128xf32, #tpu.memory_space<hbm>> -> memref<10000x128xf32, #tpu.memory_space<hbm>>
      tpu.enqueue_indirect_dma source(%dma_start3A_56 : memref<10000x128xf32, #tpu.memory_space<hbm>>) target(%arg12 : memref<96x128xf32, #tpu.memory_space<vmem>>) offsets(%arg8 : memref<96xi32, #tpu.memory_space<vmem>>) semaphore(%arg21 : memref<!tpu.dma_semaphore, #tpu.memory_space<semaphore_mem>>)
      %gt3A = arith.constant 0 : i32
      %gt3A_57 = arith.cmpi sgt, %scan3A_39, %gt3A : i32
      %convert_element_type3A = arith.extui %gt3A_57 : i1 to i32
      %cond3A = arith.constant 0 : i32
      %cond3A_58 = arith.cmpi ne, %convert_element_type3A, %cond3A : i32
      scf.if %cond3A_58 {
        %dma_wait3A_99 = arith.constant 0 : i32
        %dma_wait3A_100 = arith.constant 0 : i32
        %dma_wait3A_101 = tpu.memref_slice %arg2[%dma_wait3A_99, %dma_wait3A_100] : memref<10000x128xf32, #tpu.memory_space<hbm>> -> memref<10000x128xf32, #tpu.memory_space<hbm>>
        tpu.wait_indirect_dma semaphore(%arg22 : memref<!tpu.dma_semaphore, #tpu.memory_space<semaphore_mem>>) src(%dma_wait3A_101 : memref<10000x128xf32, #tpu.memory_space<hbm>>) dst(%arg13 : memref<96x128xf32, #tpu.memory_space<vmem>>)
        "tpu.region"() ({
          %run_scoped3A = tpu.sem_alloc : memref<!tpu.dma_semaphore, #tpu.memory_space<semaphore_mem>>
          %dma_start3A_102 = arith.constant 0 : i32
          %dma_start3A_103 = arith.constant 0 : i32
          %dma_start3A_104 = tpu.memref_slice %arg18[%dma_start3A_102, %dma_start3A_103] : memref<10112x128xf32, #tpu.memory_space<vmem_shared>> -> memref<10112x128xf32, #tpu.memory_space<vmem_shared>>
          tpu.enqueue_indirect_dma source(%arg13 : memref<96x128xf32, #tpu.memory_space<vmem>>) target(%dma_start3A_104 : memref<10112x128xf32, #tpu.memory_space<vmem_shared>>) offsets(%arg11 : memref<96xi32, #tpu.memory_space<vmem>>) semaphore(%run_scoped3A : memref<!tpu.dma_semaphore, #tpu.memory_space<semaphore_mem>>) {add = true}
          %dma_wait3A_105 = arith.constant 0 : i32
          %dma_wait3A_106 = arith.constant 0 : i32
          %dma_wait3A_107 = tpu.memref_slice %arg18[%dma_wait3A_105, %dma_wait3A_106] : memref<10112x128xf32, #tpu.memory_space<vmem_shared>> -> memref<10112x128xf32, #tpu.memory_space<vmem_shared>>
          tpu.wait_indirect_dma semaphore(%run_scoped3A : memref<!tpu.dma_semaphore, #tpu.memory_space<semaphore_mem>>) src(%arg13 : memref<96x128xf32, #tpu.memory_space<vmem>>) dst(%dma_wait3A_107 : memref<10112x128xf32, #tpu.memory_space<vmem_shared>>)
          tpu.yield
        }) : () -> ()
        "tpu.region"() ({
          %run_scoped3A = tpu.sem_alloc : memref<!tpu.dma_semaphore, #tpu.memory_space<semaphore_mem>>
          %dma_start3A_102 = arith.constant 0 : i32
          %dma_start3A_103 = arith.constant 0 : i32
          %dma_start3A_104 = tpu.memref_slice %arg18[%dma_start3A_102, %dma_start3A_103] : memref<10112x128xf32, #tpu.memory_space<vmem_shared>> -> memref<10112x128xf32, #tpu.memory_space<vmem_shared>>
          tpu.enqueue_indirect_dma source(%arg15 : memref<96x128xf32, #tpu.memory_space<vmem>>) target(%dma_start3A_104 : memref<10112x128xf32, #tpu.memory_space<vmem_shared>>) offsets(%arg11 : memref<96xi32, #tpu.memory_space<vmem>>) semaphore(%run_scoped3A : memref<!tpu.dma_semaphore, #tpu.memory_space<semaphore_mem>>) {add = true}
          %dma_wait3A_105 = arith.constant 0 : i32
          %dma_wait3A_106 = arith.constant 0 : i32
          %dma_wait3A_107 = tpu.memref_slice %arg18[%dma_wait3A_105, %dma_wait3A_106] : memref<10112x128xf32, #tpu.memory_space<vmem_shared>> -> memref<10112x128xf32, #tpu.memory_space<vmem_shared>>
          tpu.wait_indirect_dma semaphore(%run_scoped3A : memref<!tpu.dma_semaphore, #tpu.memory_space<semaphore_mem>>) src(%arg15 : memref<96x128xf32, #tpu.memory_space<vmem>>) dst(%dma_wait3A_107 : memref<10112x128xf32, #tpu.memory_space<vmem_shared>>)
          tpu.yield
        }) : () -> ()
      } else {
      }
      %mul3A_59 = arith.constant 2 : i32
      %mul3A_60 = arith.muli %mul3A_59, %scan3A_39 : i32
      %add3A_61 = arith.constant 1 : i32
      %add3A_62 = arith.addi %mul3A_60, %add3A_61 : i32
      %mul3A_63 = arith.constant 96 : i32
      %mul3A_64 = arith.muli %add3A_62, %mul3A_63 : i32
      %add3A_65 = arith.addi %multiple_of3A_5, %mul3A_64 : i32
      %multiple_of3A_66 = tpu.assume_multiple %add3A_65, 8 : i32
      %dma_start3A_67 = tpu.memref_slice %arg4[%multiple_of3A_66] : memref<320000xi32, #tpu.memory_space<hbm>> -> memref<96xi32, #tpu.memory_space<hbm>>
      %dma_start3A_68 = tpu.memref_slice %arg4[%multiple_of3A_66] : memref<320000xi32, #tpu.memory_space<hbm>> -> memref<96xi32, #tpu.memory_space<hbm>>
      tpu.enqueue_dma source(%dma_start3A_68 : memref<96xi32, #tpu.memory_space<hbm>>) target(%arg10 : memref<96xi32, #tpu.memory_space<vmem>>) target_semaphore(%arg20 : memref<!tpu.dma_semaphore, #tpu.memory_space<semaphore_mem>>)
      %dma_start3A_69 = tpu.memref_slice %arg5[%multiple_of3A_66] : memref<320000xi32, #tpu.memory_space<hbm>> -> memref<96xi32, #tpu.memory_space<hbm>>
      %dma_start3A_70 = tpu.memref_slice %arg5[%multiple_of3A_66] : memref<320000xi32, #tpu.memory_space<hbm>> -> memref<96xi32, #tpu.memory_space<hbm>>
      tpu.enqueue_dma source(%dma_start3A_70 : memref<96xi32, #tpu.memory_space<hbm>>) target(%arg11 : memref<96xi32, #tpu.memory_space<vmem>>) target_semaphore(%arg20 : memref<!tpu.dma_semaphore, #tpu.memory_space<semaphore_mem>>)
      %dma_start3A_71 = arith.constant 0 : i32
      %dma_start3A_72 = tpu.memref_slice %arg3[%multiple_of3A_66, %dma_start3A_71] : memref<320000x128xf32, #tpu.memory_space<hbm>> -> memref<96x128xf32, #tpu.memory_space<hbm>>
      %dma_start3A_73 = arith.constant 0 : i32
      %dma_start3A_74 = tpu.memref_slice %arg3[%multiple_of3A_66, %dma_start3A_73] : memref<320000x128xf32, #tpu.memory_space<hbm>> -> memref<96x128xf32, #tpu.memory_space<hbm>>
      tpu.enqueue_dma source(%dma_start3A_74 : memref<96x128xf32, #tpu.memory_space<hbm>>) target(%arg15 : memref<96x128xf32, #tpu.memory_space<vmem>>) target_semaphore(%arg20 : memref<!tpu.dma_semaphore, #tpu.memory_space<semaphore_mem>>)
      %dma_wait3A_75 = arith.constant 0 : i32
      %dma_wait3A_76 = tpu.memref_slice %arg4[%dma_wait3A_75] : memref<320000xi32, #tpu.memory_space<hbm>> -> memref<96xi32, #tpu.memory_space<hbm>>
      %dma_wait3A_77 = arith.constant 0 : i32
      %dma_wait3A_78 = tpu.memref_slice %arg4[%dma_wait3A_77] : memref<320000xi32, #tpu.memory_space<hbm>> -> memref<96xi32, #tpu.memory_space<hbm>>
      tpu.wait_dma2 semaphore(%arg20 : memref<!tpu.dma_semaphore, #tpu.memory_space<semaphore_mem>>) src(%dma_wait3A_78 : memref<96xi32, #tpu.memory_space<hbm>>) dst(%arg10 : memref<96xi32, #tpu.memory_space<vmem>>)
      %dma_wait3A_79 = arith.constant 0 : i32
      %dma_wait3A_80 = tpu.memref_slice %arg5[%dma_wait3A_79] : memref<320000xi32, #tpu.memory_space<hbm>> -> memref<96xi32, #tpu.memory_space<hbm>>
      %dma_wait3A_81 = arith.constant 0 : i32
      %dma_wait3A_82 = tpu.memref_slice %arg5[%dma_wait3A_81] : memref<320000xi32, #tpu.memory_space<hbm>> -> memref<96xi32, #tpu.memory_space<hbm>>
      tpu.wait_dma2 semaphore(%arg20 : memref<!tpu.dma_semaphore, #tpu.memory_space<semaphore_mem>>) src(%dma_wait3A_82 : memref<96xi32, #tpu.memory_space<hbm>>) dst(%arg11 : memref<96xi32, #tpu.memory_space<vmem>>)
      %dma_wait3A_83 = arith.constant 0 : i32
      %dma_wait3A_84 = arith.constant 0 : i32
      %dma_wait3A_85 = tpu.memref_slice %arg3[%dma_wait3A_83, %dma_wait3A_84] : memref<320000x128xf32, #tpu.memory_space<hbm>> -> memref<96x128xf32, #tpu.memory_space<hbm>>
      %dma_wait3A_86 = arith.constant 0 : i32
      %dma_wait3A_87 = arith.constant 0 : i32
      %dma_wait3A_88 = tpu.memref_slice %arg3[%dma_wait3A_86, %dma_wait3A_87] : memref<320000x128xf32, #tpu.memory_space<hbm>> -> memref<96x128xf32, #tpu.memory_space<hbm>>
      tpu.wait_dma2 semaphore(%arg20 : memref<!tpu.dma_semaphore, #tpu.memory_space<semaphore_mem>>) src(%dma_wait3A_88 : memref<96x128xf32, #tpu.memory_space<hbm>>) dst(%arg15 : memref<96x128xf32, #tpu.memory_space<vmem>>)
      %dma_start3A_89 = arith.constant 0 : i32
      %dma_start3A_90 = arith.constant 0 : i32
      %dma_start3A_91 = tpu.memref_slice %arg2[%dma_start3A_89, %dma_start3A_90] : memref<10000x128xf32, #tpu.memory_space<hbm>> -> memref<10000x128xf32, #tpu.memory_space<hbm>>
      tpu.enqueue_indirect_dma source(%dma_start3A_91 : memref<10000x128xf32, #tpu.memory_space<hbm>>) target(%arg13 : memref<96x128xf32, #tpu.memory_space<vmem>>) offsets(%arg10 : memref<96xi32, #tpu.memory_space<vmem>>) semaphore(%arg22 : memref<!tpu.dma_semaphore, #tpu.memory_space<semaphore_mem>>)
      %dma_wait3A_92 = arith.constant 0 : i32
      %dma_wait3A_93 = arith.constant 0 : i32
      %dma_wait3A_94 = tpu.memref_slice %arg2[%dma_wait3A_92, %dma_wait3A_93] : memref<10000x128xf32, #tpu.memory_space<hbm>> -> memref<10000x128xf32, #tpu.memory_space<hbm>>
      tpu.wait_indirect_dma semaphore(%arg21 : memref<!tpu.dma_semaphore, #tpu.memory_space<semaphore_mem>>) src(%dma_wait3A_94 : memref<10000x128xf32, #tpu.memory_space<hbm>>) dst(%arg12 : memref<96x128xf32, #tpu.memory_space<vmem>>)
      "tpu.region"() ({
        %run_scoped3A = tpu.sem_alloc : memref<!tpu.dma_semaphore, #tpu.memory_space<semaphore_mem>>
        %dma_start3A_99 = arith.constant 0 : i32
        %dma_start3A_100 = arith.constant 0 : i32
        %dma_start3A_101 = tpu.memref_slice %arg18[%dma_start3A_99, %dma_start3A_100] : memref<10112x128xf32, #tpu.memory_space<vmem_shared>> -> memref<10112x128xf32, #tpu.memory_space<vmem_shared>>
        tpu.enqueue_indirect_dma source(%arg12 : memref<96x128xf32, #tpu.memory_space<vmem>>) target(%dma_start3A_101 : memref<10112x128xf32, #tpu.memory_space<vmem_shared>>) offsets(%arg9 : memref<96xi32, #tpu.memory_space<vmem>>) semaphore(%run_scoped3A : memref<!tpu.dma_semaphore, #tpu.memory_space<semaphore_mem>>) {add = true}
        %dma_wait3A_102 = arith.constant 0 : i32
        %dma_wait3A_103 = arith.constant 0 : i32
        %dma_wait3A_104 = tpu.memref_slice %arg18[%dma_wait3A_102, %dma_wait3A_103] : memref<10112x128xf32, #tpu.memory_space<vmem_shared>> -> memref<10112x128xf32, #tpu.memory_space<vmem_shared>>
        tpu.wait_indirect_dma semaphore(%run_scoped3A : memref<!tpu.dma_semaphore, #tpu.memory_space<semaphore_mem>>) src(%arg12 : memref<96x128xf32, #tpu.memory_space<vmem>>) dst(%dma_wait3A_104 : memref<10112x128xf32, #tpu.memory_space<vmem_shared>>)
        tpu.yield
      }) : () -> ()
      "tpu.region"() ({
        %run_scoped3A = tpu.sem_alloc : memref<!tpu.dma_semaphore, #tpu.memory_space<semaphore_mem>>
        %dma_start3A_99 = arith.constant 0 : i32
        %dma_start3A_100 = arith.constant 0 : i32
        %dma_start3A_101 = tpu.memref_slice %arg18[%dma_start3A_99, %dma_start3A_100] : memref<10112x128xf32, #tpu.memory_space<vmem_shared>> -> memref<10112x128xf32, #tpu.memory_space<vmem_shared>>
        tpu.enqueue_indirect_dma source(%arg14 : memref<96x128xf32, #tpu.memory_space<vmem>>) target(%dma_start3A_101 : memref<10112x128xf32, #tpu.memory_space<vmem_shared>>) offsets(%arg9 : memref<96xi32, #tpu.memory_space<vmem>>) semaphore(%run_scoped3A : memref<!tpu.dma_semaphore, #tpu.memory_space<semaphore_mem>>) {add = true}
        %dma_wait3A_102 = arith.constant 0 : i32
        %dma_wait3A_103 = arith.constant 0 : i32
        %dma_wait3A_104 = tpu.memref_slice %arg18[%dma_wait3A_102, %dma_wait3A_103] : memref<10112x128xf32, #tpu.memory_space<vmem_shared>> -> memref<10112x128xf32, #tpu.memory_space<vmem_shared>>
        tpu.wait_indirect_dma semaphore(%run_scoped3A : memref<!tpu.dma_semaphore, #tpu.memory_space<semaphore_mem>>) src(%arg14 : memref<96x128xf32, #tpu.memory_space<vmem>>) dst(%dma_wait3A_104 : memref<10112x128xf32, #tpu.memory_space<vmem_shared>>)
        tpu.yield
      }) : () -> ()
      %lt3A = arith.constant 51 : i32
      %lt3A_95 = arith.cmpi slt, %scan3A_39, %lt3A : i32
      %convert_element_type3A_96 = arith.extui %lt3A_95 : i1 to i32
      %cond3A_97 = arith.constant 0 : i32
      %cond3A_98 = arith.cmpi ne, %convert_element_type3A_96, %cond3A_97 : i32
      scf.if %cond3A_98 {
        %mul3A_99 = arith.constant 2 : i32
        %mul3A_100 = arith.muli %mul3A_99, %scan3A_39 : i32
        %add3A_101 = arith.constant 2 : i32
        %add3A_102 = arith.addi %mul3A_100, %add3A_101 : i32
        %mul3A_103 = arith.constant 96 : i32
        %mul3A_104 = arith.muli %add3A_102, %mul3A_103 : i32
        %add3A_105 = arith.addi %multiple_of3A_5, %mul3A_104 : i32
        %multiple_of3A_106 = tpu.assume_multiple %add3A_105, 8 : i32
        %dma_start3A_107 = tpu.memref_slice %arg4[%multiple_of3A_106] : memref<320000xi32, #tpu.memory_space<hbm>> -> memref<96xi32, #tpu.memory_space<hbm>>
        %dma_start3A_108 = tpu.memref_slice %arg4[%multiple_of3A_106] : memref<320000xi32, #tpu.memory_space<hbm>> -> memref<96xi32, #tpu.memory_space<hbm>>
        tpu.enqueue_dma source(%dma_start3A_108 : memref<96xi32, #tpu.memory_space<hbm>>) target(%arg8 : memref<96xi32, #tpu.memory_space<vmem>>) target_semaphore(%arg19 : memref<!tpu.dma_semaphore, #tpu.memory_space<semaphore_mem>>)
        %dma_start3A_109 = tpu.memref_slice %arg5[%multiple_of3A_106] : memref<320000xi32, #tpu.memory_space<hbm>> -> memref<96xi32, #tpu.memory_space<hbm>>
        %dma_start3A_110 = tpu.memref_slice %arg5[%multiple_of3A_106] : memref<320000xi32, #tpu.memory_space<hbm>> -> memref<96xi32, #tpu.memory_space<hbm>>
        tpu.enqueue_dma source(%dma_start3A_110 : memref<96xi32, #tpu.memory_space<hbm>>) target(%arg9 : memref<96xi32, #tpu.memory_space<vmem>>) target_semaphore(%arg19 : memref<!tpu.dma_semaphore, #tpu.memory_space<semaphore_mem>>)
        %dma_start3A_111 = arith.constant 0 : i32
        %dma_start3A_112 = tpu.memref_slice %arg3[%multiple_of3A_106, %dma_start3A_111] : memref<320000x128xf32, #tpu.memory_space<hbm>> -> memref<96x128xf32, #tpu.memory_space<hbm>>
        %dma_start3A_113 = arith.constant 0 : i32
        %dma_start3A_114 = tpu.memref_slice %arg3[%multiple_of3A_106, %dma_start3A_113] : memref<320000x128xf32, #tpu.memory_space<hbm>> -> memref<96x128xf32, #tpu.memory_space<hbm>>
        tpu.enqueue_dma source(%dma_start3A_114 : memref<96x128xf32, #tpu.memory_space<hbm>>) target(%arg14 : memref<96x128xf32, #tpu.memory_space<vmem>>) target_semaphore(%arg19 : memref<!tpu.dma_semaphore, #tpu.memory_space<semaphore_mem>>)
      } else {
      }
    }
    %scan3A_20 = arith.constant 52 : i32
    %dma_wait3A = arith.constant 0 : i32
    %dma_wait3A_21 = arith.constant 0 : i32
    %dma_wait3A_22 = tpu.memref_slice %arg2[%dma_wait3A, %dma_wait3A_21] : memref<10000x128xf32, #tpu.memory_space<hbm>> -> memref<10000x128xf32, #tpu.memory_space<hbm>>
    tpu.wait_indirect_dma semaphore(%arg22 : memref<!tpu.dma_semaphore, #tpu.memory_space<semaphore_mem>>) src(%dma_wait3A_22 : memref<10000x128xf32, #tpu.memory_space<hbm>>) dst(%arg13 : memref<96x128xf32, #tpu.memory_space<vmem>>)
    "tpu.region"() ({
      %run_scoped3A = tpu.sem_alloc : memref<!tpu.dma_semaphore, #tpu.memory_space<semaphore_mem>>
      %dma_start3A_39 = arith.constant 0 : i32
      %dma_start3A_40 = arith.constant 0 : i32
      %dma_start3A_41 = tpu.memref_slice %arg18[%dma_start3A_39, %dma_start3A_40] : memref<10112x128xf32, #tpu.memory_space<vmem_shared>> -> memref<10112x128xf32, #tpu.memory_space<vmem_shared>>
      tpu.enqueue_indirect_dma source(%arg13 : memref<96x128xf32, #tpu.memory_space<vmem>>) target(%dma_start3A_41 : memref<10112x128xf32, #tpu.memory_space<vmem_shared>>) offsets(%arg11 : memref<96xi32, #tpu.memory_space<vmem>>) semaphore(%run_scoped3A : memref<!tpu.dma_semaphore, #tpu.memory_space<semaphore_mem>>) {add = true}
      %dma_wait3A_42 = arith.constant 0 : i32
      %dma_wait3A_43 = arith.constant 0 : i32
      %dma_wait3A_44 = tpu.memref_slice %arg18[%dma_wait3A_42, %dma_wait3A_43] : memref<10112x128xf32, #tpu.memory_space<vmem_shared>> -> memref<10112x128xf32, #tpu.memory_space<vmem_shared>>
      tpu.wait_indirect_dma semaphore(%run_scoped3A : memref<!tpu.dma_semaphore, #tpu.memory_space<semaphore_mem>>) src(%arg13 : memref<96x128xf32, #tpu.memory_space<vmem>>) dst(%dma_wait3A_44 : memref<10112x128xf32, #tpu.memory_space<vmem_shared>>)
      tpu.yield
    }) : () -> ()
    "tpu.region"() ({
      %run_scoped3A = tpu.sem_alloc : memref<!tpu.dma_semaphore, #tpu.memory_space<semaphore_mem>>
      %dma_start3A_39 = arith.constant 0 : i32
      %dma_start3A_40 = arith.constant 0 : i32
      %dma_start3A_41 = tpu.memref_slice %arg18[%dma_start3A_39, %dma_start3A_40] : memref<10112x128xf32, #tpu.memory_space<vmem_shared>> -> memref<10112x128xf32, #tpu.memory_space<vmem_shared>>
      tpu.enqueue_indirect_dma source(%arg15 : memref<96x128xf32, #tpu.memory_space<vmem>>) target(%dma_start3A_41 : memref<10112x128xf32, #tpu.memory_space<vmem_shared>>) offsets(%arg11 : memref<96xi32, #tpu.memory_space<vmem>>) semaphore(%run_scoped3A : memref<!tpu.dma_semaphore, #tpu.memory_space<semaphore_mem>>) {add = true}
      %dma_wait3A_42 = arith.constant 0 : i32
      %dma_wait3A_43 = arith.constant 0 : i32
      %dma_wait3A_44 = tpu.memref_slice %arg18[%dma_wait3A_42, %dma_wait3A_43] : memref<10112x128xf32, #tpu.memory_space<vmem_shared>> -> memref<10112x128xf32, #tpu.memory_space<vmem_shared>>
      tpu.wait_indirect_dma semaphore(%run_scoped3A : memref<!tpu.dma_semaphore, #tpu.memory_space<semaphore_mem>>) src(%arg15 : memref<96x128xf32, #tpu.memory_space<vmem>>) dst(%dma_wait3A_44 : memref<10112x128xf32, #tpu.memory_space<vmem_shared>>)
      tpu.yield
    }) : () -> ()
    %add3A_23 = arith.constant 9984 : i32
    %add3A_24 = arith.addi %multiple_of3A_5, %add3A_23 : i32
    %multiple_of3A_25 = tpu.assume_multiple %add3A_24, 8 : i32
    "tpu.region"() ({
      %run_scoped3A = tpu.sem_alloc : memref<!tpu.dma_semaphore, #tpu.memory_space<semaphore_mem>>
      %dma_start3A_39 = tpu.memref_slice %arg4[%multiple_of3A_25] : memref<320000xi32, #tpu.memory_space<hbm>> -> memref<16xi32, #tpu.memory_space<hbm>>
      %dma_start3A_40 = tpu.memref_slice %arg4[%multiple_of3A_25] : memref<320000xi32, #tpu.memory_space<hbm>> -> memref<16xi32, #tpu.memory_space<hbm>>
      tpu.enqueue_dma source(%dma_start3A_40 : memref<16xi32, #tpu.memory_space<hbm>>) target(%arg16 : memref<16xi32, #tpu.memory_space<vmem>>) target_semaphore(%run_scoped3A : memref<!tpu.dma_semaphore, #tpu.memory_space<semaphore_mem>>)
      %dma_wait3A_41 = tpu.memref_slice %arg4[%multiple_of3A_25] : memref<320000xi32, #tpu.memory_space<hbm>> -> memref<16xi32, #tpu.memory_space<hbm>>
      %dma_wait3A_42 = tpu.memref_slice %arg4[%multiple_of3A_25] : memref<320000xi32, #tpu.memory_space<hbm>> -> memref<16xi32, #tpu.memory_space<hbm>>
      tpu.wait_dma2 semaphore(%run_scoped3A : memref<!tpu.dma_semaphore, #tpu.memory_space<semaphore_mem>>) src(%dma_wait3A_42 : memref<16xi32, #tpu.memory_space<hbm>>) dst(%arg16 : memref<16xi32, #tpu.memory_space<vmem>>)
      tpu.yield
    }) : () -> ()
    "tpu.region"() ({
      %run_scoped3A = tpu.sem_alloc : memref<!tpu.dma_semaphore, #tpu.memory_space<semaphore_mem>>
      %dma_start3A_39 = tpu.memref_slice %arg5[%multiple_of3A_25] : memref<320000xi32, #tpu.memory_space<hbm>> -> memref<16xi32, #tpu.memory_space<hbm>>
      %dma_start3A_40 = tpu.memref_slice %arg5[%multiple_of3A_25] : memref<320000xi32, #tpu.memory_space<hbm>> -> memref<16xi32, #tpu.memory_space<hbm>>
      tpu.enqueue_dma source(%dma_start3A_40 : memref<16xi32, #tpu.memory_space<hbm>>) target(%arg17 : memref<16xi32, #tpu.memory_space<vmem>>) target_semaphore(%run_scoped3A : memref<!tpu.dma_semaphore, #tpu.memory_space<semaphore_mem>>)
      %dma_wait3A_41 = tpu.memref_slice %arg5[%multiple_of3A_25] : memref<320000xi32, #tpu.memory_space<hbm>> -> memref<16xi32, #tpu.memory_space<hbm>>
      %dma_wait3A_42 = tpu.memref_slice %arg5[%multiple_of3A_25] : memref<320000xi32, #tpu.memory_space<hbm>> -> memref<16xi32, #tpu.memory_space<hbm>>
      tpu.wait_dma2 semaphore(%run_scoped3A : memref<!tpu.dma_semaphore, #tpu.memory_space<semaphore_mem>>) src(%dma_wait3A_42 : memref<16xi32, #tpu.memory_space<hbm>>) dst(%arg17 : memref<16xi32, #tpu.memory_space<vmem>>)
      tpu.yield
    }) : () -> ()
    %dma_start3A_26 = arith.constant 0 : i32
    %dma_start3A_27 = arith.constant 0 : i32
    %dma_start3A_28 = tpu.memref_slice %arg12[%dma_start3A_26, %dma_start3A_27] : memref<96x128xf32, #tpu.memory_space<vmem>> -> memref<16x128xf32, #tpu.memory_space<vmem>>
    %dma_start3A_29 = arith.constant 0 : i32
    %dma_start3A_30 = arith.constant 0 : i32
    %dma_start3A_31 = tpu.memref_slice %arg2[%dma_start3A_29, %dma_start3A_30] : memref<10000x128xf32, #tpu.memory_space<hbm>> -> memref<10000x128xf32, #tpu.memory_space<hbm>>
    tpu.enqueue_indirect_dma source(%dma_start3A_31 : memref<10000x128xf32, #tpu.memory_space<hbm>>) target(%dma_start3A_28 : memref<16x128xf32, #tpu.memory_space<vmem>>) offsets(%arg16 : memref<16xi32, #tpu.memory_space<vmem>>) semaphore(%arg21 : memref<!tpu.dma_semaphore, #tpu.memory_space<semaphore_mem>>)
    %dma_wait3A_32 = arith.constant 0 : i32
    %dma_wait3A_33 = arith.constant 0 : i32
    %dma_wait3A_34 = tpu.memref_slice %arg12[%dma_wait3A_32, %dma_wait3A_33] : memref<96x128xf32, #tpu.memory_space<vmem>> -> memref<16x128xf32, #tpu.memory_space<vmem>>
    %dma_wait3A_35 = arith.constant 0 : i32
    %dma_wait3A_36 = arith.constant 0 : i32
    %dma_wait3A_37 = tpu.memref_slice %arg2[%dma_wait3A_35, %dma_wait3A_36] : memref<10000x128xf32, #tpu.memory_space<hbm>> -> memref<10000x128xf32, #tpu.memory_space<hbm>>
    tpu.wait_indirect_dma semaphore(%arg21 : memref<!tpu.dma_semaphore, #tpu.memory_space<semaphore_mem>>) src(%dma_wait3A_37 : memref<10000x128xf32, #tpu.memory_space<hbm>>) dst(%dma_wait3A_34 : memref<16x128xf32, #tpu.memory_space<vmem>>)
    "tpu.region"() ({
      %run_scoped3A = tpu.sem_alloc : memref<!tpu.dma_semaphore, #tpu.memory_space<semaphore_mem>>
      %dma_start3A_39 = arith.constant 0 : i32
      %dma_start3A_40 = arith.constant 0 : i32
      %dma_start3A_41 = tpu.memref_slice %arg14[%dma_start3A_39, %dma_start3A_40] : memref<96x128xf32, #tpu.memory_space<vmem>> -> memref<16x128xf32, #tpu.memory_space<vmem>>
      %dma_start3A_42 = arith.constant 0 : i32
      %dma_start3A_43 = tpu.memref_slice %arg3[%multiple_of3A_25, %dma_start3A_42] : memref<320000x128xf32, #tpu.memory_space<hbm>> -> memref<16x128xf32, #tpu.memory_space<hbm>>
      %dma_start3A_44 = arith.constant 0 : i32
      %dma_start3A_45 = arith.constant 0 : i32
      %dma_start3A_46 = tpu.memref_slice %arg14[%dma_start3A_44, %dma_start3A_45] : memref<96x128xf32, #tpu.memory_space<vmem>> -> memref<16x128xf32, #tpu.memory_space<vmem>>
      %dma_start3A_47 = arith.constant 0 : i32
      %dma_start3A_48 = tpu.memref_slice %arg3[%multiple_of3A_25, %dma_start3A_47] : memref<320000x128xf32, #tpu.memory_space<hbm>> -> memref<16x128xf32, #tpu.memory_space<hbm>>
      tpu.enqueue_dma source(%dma_start3A_48 : memref<16x128xf32, #tpu.memory_space<hbm>>) target(%dma_start3A_46 : memref<16x128xf32, #tpu.memory_space<vmem>>) target_semaphore(%run_scoped3A : memref<!tpu.dma_semaphore, #tpu.memory_space<semaphore_mem>>)
      %dma_wait3A_49 = arith.constant 0 : i32
      %dma_wait3A_50 = arith.constant 0 : i32
      %dma_wait3A_51 = tpu.memref_slice %arg14[%dma_wait3A_49, %dma_wait3A_50] : memref<96x128xf32, #tpu.memory_space<vmem>> -> memref<16x128xf32, #tpu.memory_space<vmem>>
      %dma_wait3A_52 = arith.constant 0 : i32
      %dma_wait3A_53 = tpu.memref_slice %arg3[%multiple_of3A_25, %dma_wait3A_52] : memref<320000x128xf32, #tpu.memory_space<hbm>> -> memref<16x128xf32, #tpu.memory_space<hbm>>
      %dma_wait3A_54 = arith.constant 0 : i32
      %dma_wait3A_55 = arith.constant 0 : i32
      %dma_wait3A_56 = tpu.memref_slice %arg14[%dma_wait3A_54, %dma_wait3A_55] : memref<96x128xf32, #tpu.memory_space<vmem>> -> memref<16x128xf32, #tpu.memory_space<vmem>>
      %dma_wait3A_57 = arith.constant 0 : i32
      %dma_wait3A_58 = tpu.memref_slice %arg3[%multiple_of3A_25, %dma_wait3A_57] : memref<320000x128xf32, #tpu.memory_space<hbm>> -> memref<16x128xf32, #tpu.memory_space<hbm>>
      tpu.wait_dma2 semaphore(%run_scoped3A : memref<!tpu.dma_semaphore, #tpu.memory_space<semaphore_mem>>) src(%dma_wait3A_58 : memref<16x128xf32, #tpu.memory_space<hbm>>) dst(%dma_wait3A_56 : memref<16x128xf32, #tpu.memory_space<vmem>>)
      tpu.yield
    }) : () -> ()
    "tpu.region"() ({
      %run_scoped3A = tpu.sem_alloc : memref<!tpu.dma_semaphore, #tpu.memory_space<semaphore_mem>>
      %dma_start3A_39 = arith.constant 0 : i32
      %dma_start3A_40 = arith.constant 0 : i32
      %dma_start3A_41 = tpu.memref_slice %arg12[%dma_start3A_39, %dma_start3A_40] : memref<96x128xf32, #tpu.memory_space<vmem>> -> memref<16x128xf32, #tpu.memory_space<vmem>>
      %dma_start3A_42 = arith.constant 0 : i32
      %dma_start3A_43 = arith.constant 0 : i32
      %dma_start3A_44 = tpu.memref_slice %arg18[%dma_start3A_42, %dma_start3A_43] : memref<10112x128xf32, #tpu.memory_space<vmem_shared>> -> memref<10112x128xf32, #tpu.memory_space<vmem_shared>>
      tpu.enqueue_indirect_dma source(%dma_start3A_41 : memref<16x128xf32, #tpu.memory_space<vmem>>) target(%dma_start3A_44 : memref<10112x128xf32, #tpu.memory_space<vmem_shared>>) offsets(%arg17 : memref<16xi32, #tpu.memory_space<vmem>>) semaphore(%run_scoped3A : memref<!tpu.dma_semaphore, #tpu.memory_space<semaphore_mem>>) {add = true}
      %dma_wait3A_45 = arith.constant 0 : i32
      %dma_wait3A_46 = arith.constant 0 : i32
      %dma_wait3A_47 = tpu.memref_slice %arg12[%dma_wait3A_45, %dma_wait3A_46] : memref<96x128xf32, #tpu.memory_space<vmem>> -> memref<16x128xf32, #tpu.memory_space<vmem>>
      %dma_wait3A_48 = arith.constant 0 : i32
      %dma_wait3A_49 = arith.constant 0 : i32
      %dma_wait3A_50 = tpu.memref_slice %arg18[%dma_wait3A_48, %dma_wait3A_49] : memref<10112x128xf32, #tpu.memory_space<vmem_shared>> -> memref<10112x128xf32, #tpu.memory_space<vmem_shared>>
      tpu.wait_indirect_dma semaphore(%run_scoped3A : memref<!tpu.dma_semaphore, #tpu.memory_space<semaphore_mem>>) src(%dma_wait3A_47 : memref<16x128xf32, #tpu.memory_space<vmem>>) dst(%dma_wait3A_50 : memref<10112x128xf32, #tpu.memory_space<vmem_shared>>)
      tpu.yield
    }) : () -> ()
    "tpu.region"() ({
      %run_scoped3A = tpu.sem_alloc : memref<!tpu.dma_semaphore, #tpu.memory_space<semaphore_mem>>
      %dma_start3A_39 = arith.constant 0 : i32
      %dma_start3A_40 = arith.constant 0 : i32
      %dma_start3A_41 = tpu.memref_slice %arg14[%dma_start3A_39, %dma_start3A_40] : memref<96x128xf32, #tpu.memory_space<vmem>> -> memref<16x128xf32, #tpu.memory_space<vmem>>
      %dma_start3A_42 = arith.constant 0 : i32
      %dma_start3A_43 = arith.constant 0 : i32
      %dma_start3A_44 = tpu.memref_slice %arg18[%dma_start3A_42, %dma_start3A_43] : memref<10112x128xf32, #tpu.memory_space<vmem_shared>> -> memref<10112x128xf32, #tpu.memory_space<vmem_shared>>
      tpu.enqueue_indirect_dma source(%dma_start3A_41 : memref<16x128xf32, #tpu.memory_space<vmem>>) target(%dma_start3A_44 : memref<10112x128xf32, #tpu.memory_space<vmem_shared>>) offsets(%arg17 : memref<16xi32, #tpu.memory_space<vmem>>) semaphore(%run_scoped3A : memref<!tpu.dma_semaphore, #tpu.memory_space<semaphore_mem>>) {add = true}
      %dma_wait3A_45 = arith.constant 0 : i32
      %dma_wait3A_46 = arith.constant 0 : i32
      %dma_wait3A_47 = tpu.memref_slice %arg14[%dma_wait3A_45, %dma_wait3A_46] : memref<96x128xf32, #tpu.memory_space<vmem>> -> memref<16x128xf32, #tpu.memory_space<vmem>>
      %dma_wait3A_48 = arith.constant 0 : i32
      %dma_wait3A_49 = arith.constant 0 : i32
      %dma_wait3A_50 = tpu.memref_slice %arg18[%dma_wait3A_48, %dma_wait3A_49] : memref<10112x128xf32, #tpu.memory_space<vmem_shared>> -> memref<10112x128xf32, #tpu.memory_space<vmem_shared>>
      tpu.wait_indirect_dma semaphore(%run_scoped3A : memref<!tpu.dma_semaphore, #tpu.memory_space<semaphore_mem>>) src(%dma_wait3A_47 : memref<16x128xf32, #tpu.memory_space<vmem>>) dst(%dma_wait3A_50 : memref<10112x128xf32, #tpu.memory_space<vmem_shared>>)
      tpu.yield
    }) : () -> ()
    %barrier3A_38 = arith.constant 0 : index
    tpu.barrier barrier_id(%barrier3A_38)
    "tpu.region"() ({
      %run_scoped3A = tpu.sem_alloc : memref<!tpu.dma_semaphore, #tpu.memory_space<semaphore_mem>>
      %dma_start3A_39 = arith.constant 0 : i32
      %dma_start3A_40 = tpu.memref_slice %arg7[%arg0, %multiple_of3A, %dma_start3A_39] : memref<2x10112x128xf32, #tpu.memory_space<hbm>> -> memref<1x632x128xf32, #tpu.memory_space<hbm>>
      %dma_start3A_41 = tpu.memref_squeeze %dma_start3A_40 : memref<1x632x128xf32, #tpu.memory_space<hbm>> -> memref<632x128xf32, #tpu.memory_space<hbm>>
      %dma_start3A_42 = arith.constant 0 : i32
      %dma_start3A_43 = tpu.memref_slice %arg18[%multiple_of3A, %dma_start3A_42] : memref<10112x128xf32, #tpu.memory_space<vmem_shared>> -> memref<632x128xf32, #tpu.memory_space<vmem_shared>>
      tpu.enqueue_dma source(%dma_start3A_43 : memref<632x128xf32, #tpu.memory_space<vmem_shared>>) target(%dma_start3A_41 : memref<632x128xf32, #tpu.memory_space<hbm>>) target_semaphore(%run_scoped3A : memref<!tpu.dma_semaphore, #tpu.memory_space<semaphore_mem>>)
      %dma_wait3A_44 = arith.constant 0 : i32
      %dma_wait3A_45 = tpu.memref_slice %arg7[%arg0, %multiple_of3A, %dma_wait3A_44] : memref<2x10112x128xf32, #tpu.memory_space<hbm>> -> memref<1x632x128xf32, #tpu.memory_space<hbm>>
      %dma_wait3A_46 = tpu.memref_squeeze %dma_wait3A_45 : memref<1x632x128xf32, #tpu.memory_space<hbm>> -> memref<632x128xf32, #tpu.memory_space<hbm>>
      %dma_wait3A_47 = arith.constant 0 : i32
      %dma_wait3A_48 = tpu.memref_slice %arg18[%multiple_of3A, %dma_wait3A_47] : memref<10112x128xf32, #tpu.memory_space<vmem_shared>> -> memref<632x128xf32, #tpu.memory_space<vmem_shared>>
      tpu.wait_dma2 semaphore(%run_scoped3A : memref<!tpu.dma_semaphore, #tpu.memory_space<semaphore_mem>>) src(%dma_wait3A_48 : memref<632x128xf32, #tpu.memory_space<vmem_shared>>) dst(%dma_wait3A_46 : memref<632x128xf32, #tpu.memory_space<hbm>>)
      tpu.yield
    }) : () -> ()
    return
  }
}

module attributes {stable_mosaic.version = 14 : i64} {
  func.func @_proj_body(%arg0: i32, %arg1: memref<2000x142xf32, #tpu.memory_space<vmem>>, %arg2: memref<142x128xf32, #tpu.memory_space<vmem>>, %arg3: memref<2000x128xf32, #tpu.memory_space<vmem>>) attributes {dimension_semantics = [#tpu.dimension_semantics<arbitrary>], iteration_bounds = array<i64: 5>, scalar_prefetch = 0 : i64, scratch_operands = 0 : i64, tpu.core_type = #tpu.core_type<tc>, window_params = [{transform_indices = @transform_0, window_bounds = array<i64: 2000, 142>}, {pipeline_mode = #tpu.pipeline_mode<synchronous>, transform_indices = @transform_1, window_bounds = array<i64: 142, 128>}, {transform_indices = @transform_2, window_bounds = array<i64: 2000, 128>}]} {
    %get3A = arith.constant 0 : index
    %get3A_0 = arith.constant 0 : index
    %get3A_1 = vector.load %arg1[%get3A, %get3A_0] : memref<2000x142xf32, #tpu.memory_space<vmem>>, vector<2000x142xf32>
    %get3A_2 = arith.constant 0 : index
    %get3A_3 = arith.constant 0 : index
    %get3A_4 = vector.load %arg2[%get3A_2, %get3A_3] : memref<142x128xf32, #tpu.memory_space<vmem>>, vector<142x128xf32>
    %dot_general3A = arith.constant dense<0.000000e+00> : vector<2000x128xf32>
    %dot_general3A_5 = tpu.matmul %get3A_1, %get3A_4, %dot_general3A {dimension_numbers = #tpu.dot_dimension_numbers<[1], [0], [0], [1], [0, 0, 1, 1], [], []>, precision = #tpu.contract_precision<fp32>, transpose_lhs_hint = false} : vector<2000x142xf32>, vector<142x128xf32>, vector<2000x128xf32> -> vector<2000x128xf32>
    %swap3A = arith.constant 0 : index
    %swap3A_6 = arith.constant 0 : index
    %swap3A_7 = vector.load %arg3[%swap3A, %swap3A_6] : memref<2000x128xf32, #tpu.memory_space<vmem>>, vector<2000x128xf32>
    tpu.vector_store %arg3[%swap3A, %swap3A_6], %dot_general3A_5 {strides = array<i32>} : memref<2000x128xf32, #tpu.memory_space<vmem>>, vector<2000x128xf32>,
    return
  }
  func.func @transform_0(%arg0: i32) -> (i32, i32) {
    %c0_i32 = arith.constant 0 : i32
    %c0_i32_0 = arith.constant 0 : i32
    return %arg0, %c0_i32 : i32, i32
  }
  func.func @transform_1(%arg0: i32) -> (i32, i32) {
    %c0_i32 = arith.constant 0 : i32
    %c0_i32_0 = arith.constant 0 : i32
    %c0_i32_1 = arith.constant 0 : i32
    return %c0_i32, %c0_i32_0 : i32, i32
  }
  func.func @transform_2(%arg0: i32) -> (i32, i32) {
    %c0_i32 = arith.constant 0 : i32
    %c0_i32_0 = arith.constant 0 : i32
    return %arg0, %c0_i32 : i32, i32
  }
}

module attributes {stable_mosaic.version = 14 : i64} {
  func.func @_edge_proj_body(%arg0: i32, %arg1: memref<8x16000xf32, #tpu.memory_space<vmem>>, %arg2: memref<8x128xf32, #tpu.memory_space<vmem>>, %arg3: memref<16000x128xf32, #tpu.memory_space<vmem>>) attributes {dimension_semantics = [#tpu.dimension_semantics<arbitrary>], iteration_bounds = array<i64: 20>, scalar_prefetch = 0 : i64, scratch_operands = 0 : i64, tpu.core_type = #tpu.core_type<tc>, window_params = [{transform_indices = @transform_0, window_bounds = array<i64: 8, 16000>}, {pipeline_mode = #tpu.pipeline_mode<synchronous>, transform_indices = @transform_1, window_bounds = array<i64: 8, 128>}, {transform_indices = @transform_2, window_bounds = array<i64: 16000, 128>}]} {
    %get3A = arith.constant 0 : index
    %get3A_0 = arith.constant 0 : index
    %get3A_1 = vector.load %arg1[%get3A, %get3A_0] : memref<8x16000xf32, #tpu.memory_space<vmem>>, vector<8x16000xf32>
    %get3A_2 = arith.constant 0 : index
    %get3A_3 = arith.constant 0 : index
    %get3A_4 = vector.load %arg2[%get3A_2, %get3A_3] : memref<8x128xf32, #tpu.memory_space<vmem>>, vector<8x128xf32>
    %dot_general3A = arith.constant dense<0.000000e+00> : vector<16000x128xf32>
    %dot_general3A_5 = tpu.matmul %get3A_1, %get3A_4, %dot_general3A {dimension_numbers = #tpu.dot_dimension_numbers<[0], [0], [1], [1], [0, 1, 1, 1], [], []>, transpose_lhs_hint = false} : vector<8x16000xf32>, vector<8x128xf32>, vector<16000x128xf32> -> vector<16000x128xf32>
    %swap3A = arith.constant 0 : index
    %swap3A_6 = arith.constant 0 : index
    %swap3A_7 = vector.load %arg3[%swap3A, %swap3A_6] : memref<16000x128xf32, #tpu.memory_space<vmem>>, vector<16000x128xf32>
    tpu.vector_store %arg3[%swap3A, %swap3A_6], %dot_general3A_5 {strides = array<i32>} : memref<16000x128xf32, #tpu.memory_space<vmem>>, vector<16000x128xf32>,
    return
  }
  func.func @transform_0(%arg0: i32) -> (i32, i32) {
    %c0_i32 = arith.constant 0 : i32
    %c0_i32_0 = arith.constant 0 : i32
    return %c0_i32, %arg0 : i32, i32
  }
  func.func @transform_1(%arg0: i32) -> (i32, i32) {
    %c0_i32 = arith.constant 0 : i32
    %c0_i32_0 = arith.constant 0 : i32
    %c0_i32_1 = arith.constant 0 : i32
    return %c0_i32, %c0_i32_0 : i32, i32
  }
  func.func @transform_2(%arg0: i32) -> (i32, i32) {
    %c0_i32 = arith.constant 0 : i32
    %c0_i32_0 = arith.constant 0 : i32
    return %arg0, %c0_i32 : i32, i32
  }
}

module attributes {stable_mosaic.version = 14 : i64} {
  func.func @_fin_body(%arg0: i32, %arg1: memref<2000x128xf32, #tpu.memory_space<vmem>>, %arg2: memref<2x2000x128xf32, #tpu.memory_space<vmem>>, %arg3: memref<128x1xf32, #tpu.memory_space<vmem>>, %arg4: memref<1x1xf32, #tpu.memory_space<smem>>, %arg5: memref<2000x1xf32, #tpu.memory_space<vmem>>) attributes {dimension_semantics = [#tpu.dimension_semantics<arbitrary>], iteration_bounds = array<i64: 5>, scalar_prefetch = 0 : i64, scratch_operands = 0 : i64, tpu.core_type = #tpu.core_type<tc>, window_params = [{transform_indices = @transform_0, window_bounds = array<i64: 2000, 128>}, {transform_indices = @transform_1, window_bounds = array<i64: 2, 2000, 128>}, {pipeline_mode = #tpu.pipeline_mode<synchronous>, transform_indices = @transform_2, window_bounds = array<i64: 128, 1>}, {transform_indices = @transform_3, window_bounds = array<i64: 1, 1>}, {transform_indices = @transform_4, window_bounds = array<i64: 2000, 1>}]} {
    %get3A = arith.constant 0 : index
    %get3A_0 = arith.constant 0 : index
    %get3A_1 = vector.load %arg1[%get3A, %get3A_0] : memref<2000x128xf32, #tpu.memory_space<vmem>>, vector<2000x128xf32>
    %get3A_2 = arith.constant 0 : index
    %get3A_3 = arith.constant 0 : index
    %get3A_4 = arith.constant 0 : index
    %get3A_5 = vector.load %arg2[%get3A_2, %get3A_3, %get3A_4] : memref<2x2000x128xf32, #tpu.memory_space<vmem>>, vector<1x2000x128xf32>
    %get3A_6 = vector.shape_cast %get3A_5 : vector<1x2000x128xf32> to vector<2000x128xf32>
    %add3A = arith.addf %get3A_1, %get3A_6 : vector<2000x128xf32>
    %get3A_7 = arith.constant 1 : index
    %get3A_8 = arith.constant 0 : index
    %get3A_9 = arith.constant 0 : index
    %get3A_10 = vector.load %arg2[%get3A_7, %get3A_8, %get3A_9] : memref<2x2000x128xf32, #tpu.memory_space<vmem>>, vector<1x2000x128xf32>
    %get3A_11 = vector.shape_cast %get3A_10 : vector<1x2000x128xf32> to vector<2000x128xf32>
    %add3A_12 = arith.addf %add3A, %get3A_11 : vector<2000x128xf32>
    %max3A = arith.constant 0.000000e+00 : f32
    %max3A_13 = vector.broadcast %max3A : f32 to vector<2000x128xf32>
    %max3A_14 = arith.maximumf %add3A_12, %max3A_13 : vector<2000x128xf32>
    %get3A_15 = arith.constant 0 : index
    %get3A_16 = arith.constant 0 : index
    %get3A_17 = vector.load %arg3[%get3A_15, %get3A_16] : memref<128x1xf32, #tpu.memory_space<vmem>>, vector<128x1xf32>
    %dot_general3A = arith.constant dense<0.000000e+00> : vector<2000x1xf32>
    %dot_general3A_18 = tpu.matmul %max3A_14, %get3A_17, %dot_general3A {dimension_numbers = #tpu.dot_dimension_numbers<[1], [0], [0], [1], [0, 0, 1, 1], [], []>, precision = #tpu.contract_precision<fp32>, transpose_lhs_hint = false} : vector<2000x128xf32>, vector<128x1xf32>, vector<2000x1xf32> -> vector<2000x1xf32>
    %get3A_19 = arith.constant 0 : index
    %get3A_20 = arith.constant 0 : index
    %get3A_21 = memref.load %arg4[%get3A_19, %get3A_20] : memref<1x1xf32, #tpu.memory_space<smem>>
    %add3A_22 = vector.broadcast %get3A_21 : f32 to vector<2000x1xf32>
    %add3A_23 = arith.addf %dot_general3A_18, %add3A_22 : vector<2000x1xf32>
    %logistic3A = arith.negf %add3A_23 : vector<2000x1xf32>
    %logistic3A_24 = math.exp %logistic3A : vector<2000x1xf32>
    %logistic3A_25 = arith.constant 1.000000e+00 : f32
    %logistic3A_26 = vector.broadcast %logistic3A_25 : f32 to vector<2000x1xf32>
    %logistic3A_27 = arith.addf %logistic3A_26, %logistic3A_24 : vector<2000x1xf32>
    %logistic3A_28 = arith.divf %logistic3A_26, %logistic3A_27 : vector<2000x1xf32>
    %swap3A = arith.constant 0 : index
    %swap3A_29 = arith.constant 0 : index
    %swap3A_30 = vector.load %arg5[%swap3A, %swap3A_29] : memref<2000x1xf32, #tpu.memory_space<vmem>>, vector<2000x1xf32>
    tpu.vector_store %arg5[%swap3A, %swap3A_29], %logistic3A_28 {strides = array<i32>} : memref<2000x1xf32, #tpu.memory_space<vmem>>, vector<2000x1xf32>,
    return
  }
  func.func @transform_0(%arg0: i32) -> (i32, i32) {
    %c0_i32 = arith.constant 0 : i32
    %c0_i32_0 = arith.constant 0 : i32
    return %arg0, %c0_i32 : i32, i32
  }
  func.func @transform_1(%arg0: i32) -> (i32, i32, i32) {
    %c0_i32 = arith.constant 0 : i32
    %c0_i32_0 = arith.constant 0 : i32
    %c0_i32_1 = arith.constant 0 : i32
    return %c0_i32, %arg0, %c0_i32_0 : i32, i32, i32
  }
  func.func @transform_2(%arg0: i32) -> (i32, i32) {
    %c0_i32 = arith.constant 0 : i32
    %c0_i32_0 = arith.constant 0 : i32
    %c0_i32_1 = arith.constant 0 : i32
    return %c0_i32, %c0_i32_0 : i32, i32
  }
  func.func @transform_3(%arg0: i32) -> (i32, i32) {
    %c0_i32 = arith.constant 0 : i32
    %c0_i32_0 = arith.constant 0 : i32
    %c0_i32_1 = arith.constant 0 : i32
    return %c0_i32, %c0_i32_0 : i32, i32
  }
  func.func @transform_4(%arg0: i32) -> (i32, i32) {
    %c0_i32 = arith.constant 0 : i32
    %c0_i32_0 = arith.constant 0 : i32
    return %arg0, %c0_i32 : i32, i32
  }
}

</mosaic_0001>

<sc_bundles>
// kernel: kernel.6.cloned.1.call-start
scs
__scs_entry_jumppad:
0x0: {  	(pc) =	sbr.rel $0x88, $3  }
0x1: {  	(tag) =	ssettag $0x0;
	lr =	simm.s32 $0x1  }
0x2: {  	[smem:$0x3F9A] =	sst lr;
	_ =	strace $0xD0000000  }
0x3: {  	_ = 	snop  }
0x4: {  	_ = 	snop  }
0x5: {  	_ = 	snop  }
0x6: {  	_ = 	snop  }
0x7: {  	_ = 	snop  }
__scs_overlays_trampoline_lowered:
0x8: {  	[smem:$0x3FA9] =	sst s0  }
0x9: {  	[smem:$0x3FAA] =	sst s1  }
0xa: {  	[smem:$0x3FAB] =	sst s2  }
0xb: {  	[smem:$0x3FAC] =	sst s3  }
0xc: {  	[smem:$0x3FAD] =	sst s4  }
0xd: {  	[smem:$0x3FAE] =	sst s5  }
0xe: {  	[smem:$0x3FAF] =	sst s6  }
0xf: {  	[smem:$0x3FB0] =	sst s7  }
0x10: {  	[smem:$0x3FB1] =	sst s8  }
0x11: {  	[smem:$0x3FB2] =	sst s9;
	s0 =	simm.s32 @!p0 $0x0  }
0x12: {  	s1 =	sld [smem:$0x3F98];
	s0 =	simm.s32 @p0 $0x1  }
0x13: {  	[smem:$0x3FB3] =	sst s0;
	s0 =	simm.s32 @!p1 $0x0  }
0x14: {  	s2 =	sld [smem:$0x3F97];
	s0 =	simm.s32 @p1 $0x1  }
0x15: {  	[smem:$0x3FB4] =	sst s0;
	s0 =	simm.s32 @!p2 $0x0  }
0x16: {  	s3 =	sld [smem:$0x3FDB];
	s0 =	simm.s32 @p2 $0x1  }
0x17: {  	s4 =	simm.s32 $0x1BF5;
	[smem:$0x3FB6] =	sst s0  }
0x18: {  	s0 =	sld [smem:$0x3F99];
	_ =	swait.ge [sflag:s4], $0x0  }
0x19: {  	s7 =	sld [smem:$0x3F9A]  }
0x1a: {  	s8 =	sadd.s32 $0xFFFFE003, lr  }
0x1b: {  	s9 =	sadd.s32 $0xFFFFFEF7, lr;
	s5 =	simm.s32 $0xFFFFFFFF;
	p2 =	slt.u32 s8, $0xFFFFF086  }
0x1c: {  	p1 =	slt.u32 s9, $0xF7A;
	s5 =	simm.s32 @!p2 $0x0  }
0x1d: {  	s5 =	simm.s32 @p1 $0x1;
	p0 =	seq.s32 s7, s2  }
0x1e: {  	s7 =	smul.u32 @!p0 $0xF7A, s2;
	p2 =	seq.s32 @!p0 s5, $0x0  }
0x1f: {  	s9 =	smul.u32 $0xF7A, s1;
	s8 =	simm.s32 @!p0 $0x1BF5;
	p2 =	por !p2, p0  }
0x20: {  	[sflag:s8] =	ssyncset.s32 @!p0 $0xFFFFF086;
	s6 =	sadd.s32 @!p0 s3, s7;
	s7 =	simm.s32 @!p0 $0x108  }
0x21: {  	s3 =	sadd.s32 s3, s9;
	s6 =	sadd.s32 @!p0 $0x88, s6;
	s7 =	simm.s32 @p2 $0x1082  }
0x22: {  	[simem:s7], [sflag:s8] =	dma.local @!p0 [hbm:s6], $0xF7A  }
0x23: {  	s9 =	sor.u32 $0xD0000000, s2;
	s6 =	simm.s32 $0x108;
	_ =	swait.ge @!p0 [sflag:s8], $0x0  }
0x24: {  	s3 =	sadd.s32 $0x88, s3;
	s6 =	simm.s32 @!p1 $0x1082;
	[sflag:s4] =	ssyncset.s32 $0xFFFFF086  }
0x25: {  	[simem:s6], [sflag:s4] =	dma.local [hbm:s3], $0xF7A  }
0x26: {  	[smem:$0x3F9A] =	sst s1;
	(tag) =	ssettag s2;
	_ =	strace s9  }
0x27: {  	s1 =	sld [smem:$0x3FAA]  }
0x28: {  	s2 =	sld [smem:$0x3FAB]  }
0x29: {  	s4 =	sld [smem:$0x3FAD]  }
0x2a: {  	p0 =	seq.s32 s5, $0x0;
	s5 =	sld [smem:$0x3FAE]  }
0x2b: {  	s6 =	sld [smem:$0x3FAF]  }
0x2c: {  	s7 =	sld [smem:$0x3FB0]  }
0x2d: {  	s3 =	simm.s32 $0x108;
	s8 =	sld [smem:$0x3FB1]  }
0x2e: {  	s3 =	simm.s32 @!p0 $0x1082;
	s9 =	sld [smem:$0x3FB2]  }
0x2f: {  	lr =	sadd.s32 s0, s3;
	s0 =	sld [smem:$0x3FA9]  }
0x30: {  	s3 =	sld [smem:$0x3FAC]  }
0x31: {  	[smem:$0x3FB5] =	sst s10  }
0x32: {  	s10 =	sld [smem:$0x3FB3];
	_ =	sdelay $0x3  }
0x33: {  	p0 =	seq.s32 s10, $0x1;
	s10 =	sld [smem:$0x3FB5];
	_ =	sdelay $0x3  }
0x34: {  	[smem:$0x3FB5] =	sst s10  }
0x35: {  	s10 =	sld [smem:$0x3FB4];
	_ =	sdelay $0x3  }
0x36: {  	p1 =	seq.s32 s10, $0x1;
	s10 =	sld [smem:$0x3FB5];
	_ =	sdelay $0x3  }
0x37: {  	[smem:$0x3FB5] =	sst s10  }
0x38: {  	s10 =	sld [smem:$0x3FB6]  }
0x39: {  	_ = 	snop;
	(pc) =	sbr.ind lr, $3  }
0x3a: {  	_ = 	snop  }
0x3b: {  	_ = 	snop  }
0x3c: {  	p2 =	seq.s32 s10, $0x1;
	s10 =	sld [smem:$0x3FB5]  }
0x3d: {  	_ =	shalt  }
0x3e: {  	_ =	shalt  }
0x3f: {  	_ =	shalt  }
0x40: {  	_ =	shalt  }
0x41: {  	_ =	shalt  }
0x42: {  	_ =	shalt  }
0x43: {  	_ =	shalt  }
0x44: {  	_ =	shalt  }
0x45: {  	_ =	shalt  }
0x46: {  	_ =	shalt  }
0x47: {  	_ =	shalt  }
0x48: {  	_ =	shalt  }
0x49: {  	_ =	shalt  }
0x4a: {  	_ =	shalt  }
0x4b: {  	_ =	shalt  }
0x4c: {  	_ =	shalt  }
0x4d: {  	_ =	shalt  }
0x4e: {  	_ =	shalt  }
0x4f: {  	_ =	shalt  }
0x50: {  	_ =	shalt  }
0x51: {  	_ =	shalt  }
0x52: {  	_ =	shalt  }
0x53: {  	_ =	shalt  }
0x54: {  	_ =	shalt  }
0x55: {  	_ =	shalt  }
0x56: {  	_ =	shalt  }
0x57: {  	_ =	shalt  }
0x58: {  	_ =	shalt  }
0x59: {  	_ =	shalt  }
0x5a: {  	_ =	shalt  }
0x5b: {  	_ =	shalt  }
0x5c: {  	_ =	shalt  }
0x5d: {  	_ =	shalt  }
0x5e: {  	_ =	shalt  }
0x5f: {  	_ =	shalt  }
0x60: {  	_ =	shalt  }
0x61: {  	_ =	shalt  }
0x62: {  	_ =	shalt  }
0x63: {  	_ =	shalt  }
0x64: {  	_ =	shalt  }
0x65: {  	_ =	shalt  }
0x66: {  	_ =	shalt  }
0x67: {  	_ =	shalt  }
0x68: {  	_ =	shalt  }
0x69: {  	_ =	shalt  }
0x6a: {  	_ =	shalt  }
0x6b: {  	_ =	shalt  }
0x6c: {  	_ =	shalt  }
0x6d: {  	_ =	shalt  }
0x6e: {  	_ =	shalt  }
0x6f: {  	_ =	shalt  }
0x70: {  	_ =	shalt  }
0x71: {  	_ =	shalt  }
0x72: {  	_ =	shalt  }
0x73: {  	_ =	shalt  }
0x74: {  	_ =	shalt  }
0x75: {  	_ =	shalt  }
0x76: {  	_ =	shalt  }
0x77: {  	_ =	shalt  }
0x78: {  	_ =	shalt  }
0x79: {  	_ =	shalt  }
0x7a: {  	_ =	shalt  }
0x7b: {  	_ =	shalt  }
0x7c: {  	_ =	shalt  }
0x7d: {  	_ =	shalt  }
0x7e: {  	_ =	shalt  }
0x7f: {  	_ =	shalt  }
0x80: {  	_ =	shalt  }
0x81: {  	_ =	shalt  }
0x82: {  	_ =	shalt  }
0x83: {  	_ =	shalt  }
0x84: {  	_ =	shalt  }
0x85: {  	_ =	shalt  }
0x86: {  	_ =	shalt  }
0x87: {  	_ =	shalt  }
.Lfunc_end0:
.L_simem_size_0:
called_computation_lowered:
.L_overlay_start_0:
0x88: {  	s2 =	sld [smem:$0x3FD9]  }
0x89: {  	s3 =	sld [smem:$0x3FFE];
	_ =	sdelay $0x1  }
0x8a: {  	s1 =	srdreg.scid  }
0x8b: {  	s0 =	sand.u32 $0x1, s1  }
0x8c: {  	s16 =	sshll.u32 s0, $0xA;
	s2 =	sadd.s32 s3, s2  }
0x8d: {  	s2 =	sadd.s32 s2, s16  }
0x8e: {  	[smem:$0x3FC1] =	sst s2  }
0x8f: {  	_ = 	snop  }
0x90: {  	(tm) =	ssettm $0x1  }
0x91: {  	s17 =	sld [smem:$0x3FFB];
	_ =	sdelay $0x3  }
0x92: {  	_ =	strace s17  }
0x93: {  	s2 =	sld [smem:$0x3FFC];
	_ =	sdelay $0x3  }
0x94: {  	_ =	strace s2  }
0x95: {  	s2 =	sld [smem:$0x3FFD];
	_ =	sdelay $0x3  }
0x96: {  	_ =	strace s2  }
0x97: {  	_ =	strace $0x8FFFFFFF  }
0x98: {  	s18 =	sld [smem:$0x3FDB];
	_ =	sdelay $0x1  }
0x99: {  	s19 =	simm.s32 $_scs_section_size  }
0x9a: {  	s4 =	simm.s32 $_size__tile_overlayer_lowered;
	s5 =	simm.s32 $_tile_overlayer_lowered  }
0x9b: {  	s22 =	simm.s32 $0x1BFF;
	s21 =	sshll.u32 s5, $0x1;
	s2 =	sadd.s32 s19, s18  }
0x9c: {  	s6 =	simm.s32 $0x0;
	s20 =	sshll.u32 s4, $0x1;
	s4 =	sadd.s32 s21, s2  }
0x9d: {  	[timem:s6], [sflag:s22] =	dma.local [hbm:s4], s20  }
0x9e: {  	_ =	swait.ge [sflag:s22], s20  }
0x9f: {  	s3 =	ssub.s32 $0x0, s20;
	[sflag:s22] =	ssyncset.done $0x0  }
0xa0: {  	[sflag:s22] =	ssyncadd.s32 s3;
	_ =	sdelay $0x1  }
0xa1: {  	s23 =	simm.s32 $0x1B8B  }
0xa2: {  	_ =	swait.ge [sflag:s23], $0x1  }
0xa3: {  	[sflag:s23] =	ssyncset.done $0x0  }
0xa4: {  	s25 =	simm.s32 $0x1B8E;
	s24 =	sld [smem:$0x3FFE];
	[sflag:s23] =	ssyncadd.s32 $0xFFFFFFFF  }
0xa5: {  	s26 =	simm.s32 $execute0_lowered;
	[smem:$0x3FD2] =	sst s25  }
0xa6: {  	s4 =	sshll.u32 s26, $0x1;
	_ =	strace $0x80000046;
	[dreg:$0x1] =	wrdreg $0xFFFFFFFF  }
0xa7: {  	s28 =	simm.s32 $_size_execute0_lowered;
	s2 =	sadd.s32 s2, s4;
	[dreg:$0x0] =	wrdreg $0x0  }
0xa8: {  	s4 =	sshll.u32 s28, $0x1;
	[dreg:$0x2] =	wrdreg s2  }
0xa9: {  	[dreg:$0x3] =	wrdreg s4  }
0xaa: {  	[dreg:$0x4] =	wrdreg $0xC0  }
0xab: {  	_ =	task [dreg:s6], $0x5FFFF  }
0xac: {  	[dreg:$0x1] =	wrdreg $0xFFFFFFFF  }
0xad: {  	[dreg:$0x0] =	wrdreg $0x60  }
0xae: {  	[dreg:$0x2] =	wrdreg s24  }
0xaf: {  	[dreg:$0x3] =	wrdreg $0xC3000  }
0xb0: {  	[dreg:$0x4] =	wrdreg $0x9  }
0xb1: {  	_ =	task.clear_ibuf [dreg:s6], $0x5FFFF;
	_ =	strace $0x90000046  }
0xb2: {  	s29 =	simm.s32 $0x9;
	_ =	strace $0x80000048  }
0xb3: {  	_ =	swait.ge [sflag:s29], $0x1  }
0xb4: {  	[sflag:s29] =	ssyncadd.s32 $0xFFFFFFFF  }
0xb5: {  	_ =	strace $0x90000048  }
0xb6: {  	_ =	sfence  }
0xb7: {  	s30 =	sld [smem:$0x0];
	_ =	sdelay $0x2  }
0xb8: {  	s31 =	sshll.u32 s1, $0xD;
	s1 =	sshrl.u32 s1, $0x2  }
0xb9: {  	s3 =	sand.u32 $0x4000, s31;
	s1 =	sadd.s32 s1, s30  }
0xba: {  	s0 =	sor.u32 s3, s0;
	s1 =	sshll.u32 s1, $0x11  }
0xbb: {  	s0 =	sor.u32 s1, s0  }
0xbc: {  	s0 =	sadd.s32 $0x8F2B, s0  }
0xbd: {  	[sflag:s0] =	ssyncadd.remote.s32 $0x1  }
0xbe: {  	_ =	sfence.sel $0xFFFF  }
0xbf: {  	[dreg:$0x0] =	wrdreg $0xFFFFFFFF;
	(pc) =	sbr.abs _section_cstart, $3  }
0xc0: {  	[dreg:$0x1] =	wrdreg $0xFFFFFFFF  }
0xc1: {  	_ =	task.clear_ibuf [dreg:s6], $0x2FFFF;
	_ =	strace $0x9FFFFFFF  }
0xc2: {  	(tm) =	ssettm $0x7FFFFFFF  }
0xc3: {  	_ =	shalt  }
tec
execute0_lowered:
.L_overlay_start_1:
0x0: {  	(tag) =	ssettag $0x1  }
0x1: {  	s0 =	rddreg [dreg:$0x0]  }
0x2: {  	s1 =	rddreg [dreg:$0x1];
	s3 =	simm.s32 $0x0;
	s14 =	stileid.u32  }
0x3: {  	s2 =	srdreg.scid;
	s28 =	simm.s32 $0x200;
	s29 =	simm.s32 $0x100  }
0x4: {  	s30 =	simm.s32 $0x180;
	s31 =	simm.s32 $0x9200;
	[smem:$0x7FF] =	sst s3  }
0x5: {  	s4 =	sadd.s32 $0x14000, s0;
	s7 =	smul.u32 $0x13C00, s14;
	s2 =	sand.u32 $0x1, s2  }
0x6: {  	s8 =	sadd.s32 $0x3B200, s0;
	s5 =	sadd.s32 $0xA200, s0;
	s13 =	smul.u32 $0x4F000, s14  }
0x7: {  	s6 =	sadd.s32 $0x400, s0;
	s17 =	smul.u32 $0x2710, s14;
	_ =	strace $0x80000047  }
0x8: {  	s9 =	smul.u32 $0x13C000, s2;
	s11 =	sshll.u32 s2, $0x4;
	s21 =	ssub.s32 $0x2, s2  }
0x9: {  	s10 =	sshrl.u32 s7, $0x3;
	s24 =	sshrl.u32 s13, $0x2;
	s13 =	smul.u32 $0x27100, s2  }
0xa: {  	s20 =	sor.u32 s14, s11;
	s22 =	sshrl.u32 s21, $0x1;
	s2 =	smul.u32 $0x271000, s2  }
0xb: {  	s10 =	sadd.s32 s10, s0;
	s7 =	sadd.s32 s7, s9;
	s12 =	smul.u32 $0x2710, s20  }
0xc: {  	s9 =	smul.u32 $0x27100, s20;
	s25 =	sadd.s32 s24, s1;
	s7 =	sshrl.u32 s7, $0x3  }
0xd: {  	[dreg:$0x6] =	wrdreg s25;
	s26 =	sadd.s32 $0x51D200, s10;
	s10 =	sshll.u32 s14, $0x6  }
0xe: {  	s20 =	sadd.s32 s17, s13;
	s2 =	sadd.s32 s2, s8;
	s13 =	simm.s32 $0x0  }
0xf: {  	s0 =	sadd.s32 s7, s0;
	s7 =	ssub.s32 s21, s22;
	s23 =	sshrl.u32 s12, $0x3  }
0x10: {  	s9 =	sadd.s32 s8, s9;
	[dreg:$0x7] =	wrdreg s26;
	s21 =	smul.u32 $0x27100, s14  }
0x11: {  	s22 =	sadd.s32 $0x60, s20;
	s24 =	sadd.s32 $0xC0, s20;
	[dreg:$0x5] =	wrdreg s9  }
0x12: {  	s15 =	sadd.s32 s5, s23;
	s11 =	sadd.s32 s6, s23;
	[dreg:$0xd] =	wrdreg s24  }
0x13: {  	s0 =	sadd.s32 $0x544A00, s0;
	s7 =	smax.u32 s7, $0x1;
	[dreg:$0x3] =	wrdreg s15  }
0x14: {  	s23 =	sshrl.u32 s22, $0x3;
	s22 =	simm.s32 $0x80;
	[dreg:$0x4] =	wrdreg s11  }
0x15: {  	s24 =	simm.s32 $0x5;
	s11 =	sadd.s32 $0x2700, s12;
	[dreg:$0xb] =	wrdreg s0  }
0x16: {  	s12 =	sor.u32 $0x1C05, s10;
	[dreg:$0xc] =	wrdreg s7;
	s25 =	sadd.s32 s23, s6  }
0x17: {  	s26 =	sadd.s32 s23, s5;
	s23 =	simm.s32 $0x6200;
	s0 =	simm.s32 $0x2  }
0x18: {  	s7 =	simm.s32 $0x3;
	s10 =	simm.s32 $0xC280;
	s16 =	sshrl.u32 s11, $0x3  }
.Ltmp0:
0x19: {  	s19 =	sshll.u32 s11, $0x4;
	[dreg:$0xe] =	wrdreg s25;
	(pc) =	sbr.rel .LBB2_1-.Ltmp0, $4  }
0x1a: {  	[dreg:$0xf] =	wrdreg s26;
	s25 =	simm.s32 $0x1;
	s18 =	sadd.s32 s5, s16  }
0x1b: {  	s26 =	simm.s32 $0x60;
	s9 =	sadd.s32 s6, s16;
	[dreg:$0x8] =	wrdreg s18  }
0x1c: {  	s11 =	simm.s32 $0x10;
	[dreg:$0x9] =	wrdreg s9;
	s9 =	sadd.s32 s8, s19  }
0x1d: {  	s18 =	sadd.s32 s21, s2;
	s2 =	simm.s32 $0x3200;
	[dreg:$0xa] =	wrdreg s9  }
.LBB2_4:
0x1e: {  	s8 =	simm.s32 $0x4  }
0x1f: {  	_ =	swait.ge [sflag:s8], $0x3000  }
0x20: {  	[sflag:s8] =	ssyncset.done $0x0  }
0x21: {  	[sflag:s8] =	ssyncadd.s32 $0xFFFFD000  }
0x22: {  	[spmem:s1] =	stream.indirect.scatter.add.f32 [tilespmem:s2], [sflag:$0x5], $0x80, s30, s26, $0xb8;
	[tilespmem:$0x1FF00] =	vst v63  }
0x23: {  	_ =	swait.ge [sflag:s24], $0x3000  }
0x24: {  	[sflag:s24] =	ssyncset.done $0x0  }
0x25: {  	[sflag:s24] =	ssyncadd.s32 $0xFFFFD000  }
0x26: {  	[spmem:s1] =	stream.indirect.scatter.add.f32 [tilespmem:s31], [sflag:$0x5], $0x80, s30, s26, $0xb8;
	[tilespmem:$0x1FF00] =	vst v63  }
0x27: {  	_ =	swait.ge [sflag:s24], $0x3000  }
0x28: {  	[sflag:s24] =	ssyncset.done $0x0  }
0x29: {  	s9 =	simm.s32 $0xC200;
	s16 =	rddreg [dreg:$0x8];
	[sflag:s24] =	ssyncadd.s32 $0xFFFFD000  }
0x2a: {  	[tilespmem:s9], [sflag:$0x5] =	stream.linear.gather [hbm4b:s16+s3], $0x10, $0x38;
	[tilespmem:$0x1FF00] =	vst v63  }
0x2b: {  	_ =	swait.ge [sflag:s24], $0x10  }
0x2c: {  	[sflag:s24] =	ssyncset.done $0x0  }
0x2d: {  	s17 =	rddreg [dreg:$0x9];
	[sflag:s24] =	ssyncadd.s32 $0xFFFFFFF0  }
0x2e: {  	[tilespmem:s10], [sflag:$0x5] =	stream.linear.gather [hbm4b:s17+s3], $0x10, $0x38;
	[tilespmem:$0x1FF00] =	vst v63  }
0x2f: {  	_ =	swait.ge [sflag:s24], $0x10  }
0x30: {  	[sflag:s24] =	ssyncset.done $0x0  }
0x31: {  	[sflag:s24] =	ssyncadd.s32 $0xFFFFFFF0  }
0x32: {  	[tilespmem:s28], [sflag:$0x3] =	stream.indirect.gather [hbm4b:s4+s11], $0x80, s9, s11, $0xb8;
	[tilespmem:$0x1FF00] =	vst v63  }
0x33: {  	_ =	swait.ge [sflag:s7], $0x800  }
0x34: {  	[sflag:s7] =	ssyncset.done $0x0  }
0x35: {  	s19 =	rddreg [dreg:$0xa];
	[sflag:s7] =	ssyncadd.s32 $0xFFFFF800  }
0x36: {  	[tilespmem:s23], [sflag:$0x5] =	stream.linear.gather [hbm4b:s19+s3], $0x800, $0x38;
	[tilespmem:$0x1FF00] =	vst v63  }
0x37: {  	_ =	swait.ge [sflag:s24], $0x800  }
0x38: {  	[sflag:s24] =	ssyncset.done $0x0  }
0x39: {  	[sflag:s24] =	ssyncadd.s32 $0xFFFFF800  }
0x3a: {  	[spmem:s1] =	stream.indirect.scatter.add.f32 [tilespmem:s28], [sflag:$0x5], $0x80, s10, s11, $0xb8;
	[tilespmem:$0x1FF00] =	vst v63  }
0x3b: {  	_ =	swait.ge [sflag:s24], $0x800  }
0x3c: {  	[sflag:s24] =	ssyncset.done $0x0  }
0x3d: {  	[sflag:s24] =	ssyncadd.s32 $0xFFFFF800  }
0x3e: {  	[spmem:s1] =	stream.indirect.scatter.add.f32 [tilespmem:s23], [sflag:$0x5], $0x80, s10, s11, $0xb8;
	[tilespmem:$0x1FF00] =	vst v63  }
0x3f: {  	_ =	swait.ge [sflag:s24], $0x800  }
0x40: {  	[sflag:s24] =	ssyncset.done $0x0  }
0x41: {  	[sflag:s24] =	ssyncadd.s32 $0xFFFFF800  }
0x42: {  	[bflag:$0x0] =	sbarrier.arrive $0xFFFF  }
0x43: {  	s20 =	rddreg [dreg:$0xb]  }
0x44: {  	[hbm:s20], [sflag:s12] =	dma.local [spmem:s14], $0x2780  }
0x45: {  	_ =	swait.ge [sflag:s24], $0x2780  }
0x46: {  	s13 =	sadd.s32 $0x1, s13;
	s21 =	rddreg [dreg:$0xc]  }
0x47: {  	p0 =	sne.s32 s13, s21  }
.Ltmp1:
0x48: {  	_ = 	snop;
	(pc) =	sbr.rel @!p0 .LBB2_5-.Ltmp1, $3  }
0x49: {  	_ =	sdelay $0x1  }
0x4a: {  	[sflag:s24] =	ssyncset.done $0x0  }
0x4b: {  	[sflag:s24] =	ssyncadd.s32 $0xFFFFD880  }
.LBB2_1:
0x4c: {  	s8 =	rddreg [dreg:$0x3]  }
0x4d: {  	s17 =	rddreg [dreg:$0x4]  }
0x4e: {  	s19 =	rddreg [dreg:$0x5]  }
0x4f: {  	[tilespmem:s3], [sflag:$0x1] =	stream.linear.gather [hbm4b:s8+s3], $0x60, $0x38;
	[tilespmem:$0x1FF00] =	vst v63  }
0x50: {  	s20 =	rddreg [dreg:$0x6]  }
0x51: {  	[tilespmem:s22], [sflag:$0x1] =	stream.linear.gather [hbm4b:s17+s3], $0x60, $0x38;
	[tilespmem:$0x1FF00] =	vst v63  }
0x52: {  	s21 =	rddreg [dreg:$0x7];
	s14 =	sshrl.u32 s20, $0x3  }
0x53: {  	[tilespmem:s23], [sflag:$0x1] =	stream.linear.gather [hbm4b:s19+s3], $0x3000, $0x38;
	[tilespmem:$0x1FF00] =	vst v63  }
0x54: {  	[spmem:s14], [sflag:s12] =	dma.local [hbm:s21], $0x2780  }
0x55: {  	_ =	swait.ge [sflag:s24], $0x2780  }
0x56: {  	[sflag:s24] =	ssyncset.done $0x0  }
0x57: {  	[sflag:s24] =	ssyncadd.s32 $0xFFFFD880  }
0x58: {  	[bflag:$0x0] =	sbarrier.arrive $0xFFFF  }
0x59: {  	s21 =	rddreg [dreg:$0xf]  }
0x5a: {  	s20 =	rddreg [dreg:$0xe]  }
0x5b: {  	s17 =	simm.s32 $0x0;
	s19 =	rddreg [dreg:$0xd]  }
.LBB2_2:
0x5c: {  	_ =	swait.ge [sflag:s25], $0x60  }
0x5d: {  	[sflag:s25] =	ssyncset.done $0x0  }
0x5e: {  	[sflag:s25] =	ssyncadd.s32 $0xFFFFFFA0  }
0x5f: {  	_ =	swait.ge [sflag:s25], $0x60  }
0x60: {  	[sflag:s25] =	ssyncset.done $0x0  }
0x61: {  	[sflag:s25] =	ssyncadd.s32 $0xFFFFFFA0  }
0x62: {  	_ =	swait.ge [sflag:s25], $0x3000  }
0x63: {  	p0 =	seq.s32 s17, $0x0;
	[sflag:s25] =	ssyncset.done $0x0  }
0x64: {  	s16 =	simm.s32 @!p0 $0x4;
	[sflag:s25] =	ssyncadd.s32 $0xFFFFD000  }
0x65: {  	[tilespmem:s28], [sflag:$0x3] =	stream.indirect.gather [hbm4b:s4+s26], $0x80, s3, s26, $0xb8;
	[tilespmem:$0x1FF00] =	vst v63  }
0x66: {  	_ =	swait.ge @!p0 [sflag:s16], $0x3000  }
0x67: {  	s15 =	simm.s32 @!p0 $0x180;
	[sflag:s16] =	ssyncset.done @!p0 $0x0  }
0x68: {  	s9 =	simm.s32 @!p0 $0x3200;
	[sflag:s16] =	ssyncadd.s32 @!p0 $0xFFFFD000;
	s16 =	simm.s32 @!p0 $0x60  }
0x69: {  	[spmem:s1] =	stream.indirect.scatter.add.f32 @!p0 [tilespmem:s9], [sflag:$0x5], $0x80, s15, s16, $0xb8;
	[tilespmem:$0x1FF00] =	vst v63  }
0x6a: {  	s9 =	simm.s32 @!p0 $0x5  }
0x6b: {  	_ =	swait.ge @!p0 [sflag:s9], $0x3000  }
0x6c: {  	[sflag:s9] =	ssyncset.done @!p0 $0x0  }
0x6d: {  	s8 =	simm.s32 @!p0 $0x9200;
	[sflag:s9] =	ssyncadd.s32 @!p0 $0xFFFFD000  }
0x6e: {  	[spmem:s1] =	stream.indirect.scatter.add.f32 @!p0 [tilespmem:s8], [sflag:$0x5], $0x80, s15, s16, $0xb8;
	[tilespmem:$0x1FF00] =	vst v63  }
0x6f: {  	_ =	swait.ge @!p0 [sflag:s9], $0x3000  }
0x70: {  	[sflag:s9] =	ssyncset.done @!p0 $0x0  }
0x71: {  	[sflag:s9] =	ssyncadd.s32 @!p0 $0xFFFFD000  }
0x72: {  	[tilespmem:s29], [sflag:$0x2] =	stream.linear.gather [hbm4b:s21+s3], $0x60, $0x38;
	[tilespmem:$0x1FF00] =	vst v63  }
0x73: {  	s16 =	sadd.s32 s17, s18  }
0x74: {  	[tilespmem:s30], [sflag:$0x2] =	stream.linear.gather [hbm4b:s20+s3], $0x60, $0x38;
	[tilespmem:$0x1FF00] =	vst v63  }
0x75: {  	s15 =	sadd.s32 $0x600, s16  }
0x76: {  	[tilespmem:s31], [sflag:$0x2] =	stream.linear.gather [hbm4b:s15+s3], $0x3000, $0x38;
	[tilespmem:$0x1FF00] =	vst v63  }
0x77: {  	_ =	swait.ge [sflag:s0], $0x60  }
0x78: {  	[sflag:s0] =	ssyncset.done $0x0  }
0x79: {  	[sflag:s0] =	ssyncadd.s32 $0xFFFFFFA0  }
0x7a: {  	_ =	swait.ge [sflag:s0], $0x60  }
0x7b: {  	[sflag:s0] =	ssyncset.done $0x0  }
0x7c: {  	[sflag:s0] =	ssyncadd.s32 $0xFFFFFFA0  }
0x7d: {  	_ =	swait.ge [sflag:s0], $0x3000  }
0x7e: {  	[sflag:s0] =	ssyncset.done $0x0  }
0x7f: {  	[sflag:s0] =	ssyncadd.s32 $0xFFFFD000  }
0x80: {  	[tilespmem:s2], [sflag:$0x4] =	stream.indirect.gather [hbm4b:s4+s26], $0x80, s29, s26, $0xb8;
	[tilespmem:$0x1FF00] =	vst v63  }
0x81: {  	_ =	swait.ge [sflag:s7], $0x3000  }
0x82: {  	[sflag:s7] =	ssyncset.done $0x0  }
0x83: {  	[sflag:s7] =	ssyncadd.s32 $0xFFFFD000  }
0x84: {  	[spmem:s1] =	stream.indirect.scatter.add.f32 [tilespmem:s28], [sflag:$0x5], $0x80, s22, s26, $0xb8;
	[tilespmem:$0x1FF00] =	vst v63  }
0x85: {  	_ =	swait.ge [sflag:s24], $0x3000  }
0x86: {  	p0 =	seq.s32 s17, $0x26400;
	[sflag:s24] =	ssyncset.done $0x0  }
.Ltmp2:
0x87: {  	[sflag:s24] =	ssyncadd.s32 $0xFFFFD000;
	(pc) =	sbr.rel @p0 .LBB2_4-.Ltmp2, $4  }
0x88: {  	[spmem:s1] =	stream.indirect.scatter.add.f32 [tilespmem:s23], [sflag:$0x5], $0x80, s22, s26, $0xb8;
	[tilespmem:$0x1FF00] =	vst v63  }
0x89: {  	_ =	swait.ge [sflag:s24], $0x3000  }
0x8a: {  	[sflag:s24] =	ssyncset.done $0x0  }
0x8b: {  	[sflag:s24] =	ssyncadd.s32 $0xFFFFD000  }
0x8c: {  	s8 =	sshrl.u32 s19, $0x3  }
0x8d: {  	s9 =	sadd.s32 s5, s8  }
0x8e: {  	[tilespmem:s3], [sflag:$0x1] =	stream.linear.gather [hbm4b:s9+s3], $0x60, $0x38;
	[tilespmem:$0x1FF00] =	vst v63  }
.Ltmp3:
0x8f: {  	_ = 	snop;
	(pc) =	sbr.rel .LBB2_2-.Ltmp3, $4  }
0x90: {  	s16 =	sadd.s32 $0xC00, s16;
	s17 =	sadd.s32 $0xC00, s17;
	s8 =	sadd.s32 s6, s8  }
0x91: {  	[tilespmem:s22], [sflag:$0x1] =	stream.linear.gather [hbm4b:s8+s3], $0x60, $0x38;
	[tilespmem:$0x1FF00] =	vst v63  }
0x92: {  	s19 =	sadd.s32 $0xC0, s19;
	s20 =	sadd.s32 $0x18, s20;
	s21 =	sadd.s32 $0x18, s21  }
0x93: {  	[tilespmem:s23], [sflag:$0x1] =	stream.linear.gather [hbm4b:s16+s3], $0x3000, $0x38;
	[tilespmem:$0x1FF00] =	vst v63  }
.LBB2_5:
0x94: {  	_ =	sfence.sel $0x180000  }
0x95: {  	[bflag:$0x0] =	sbarrier.arrive $0xFFFF  }
0x96: {  	_ =	strace $0x90000047  }
0x97: {  	s0 =	stileid.u32;
	[bflag:$0x2] =	sbarrier.arrive $0xFFFF  }
0x98: {  	p0 =	sne.s32 s0, $0x0;
	s0 =	rddreg [dreg:$0x2]  }
0x99: {  	s0 =	sadd.s32 @!p0 $0x100000, s0  }
0x9a: {  	[sflag:s0] =	ssyncadd.tile.s32 @!p0 $0x1;
	_ =	shalt  }
.Lfunc_end2:
_tile_overlayer_lowered:
.L_overlay_start_2:
0x9b: {  	(tag) =	ssettag $0x2  }
0x9c: {  	s0 =	rddreg [dreg:$0x0];
	s2 =	stileid.u32  }
0x9d: {  	s1 =	rddreg [dreg:$0x1];
	p0 =	sne.s32 s2, $0x0  }
0x9e: {  	s3 =	rddreg [dreg:$0x2];
	[bflag:$0x3] =	sbarrier.arrive $0xFFFF;
	s2 =	simm.s32 @!p0 $0x1C05  }
0x9f: {  	[timem:s3], [sflag:s2] =	dma.local @!p0 [hbm:s0], s1  }
0xa0: {  	s0 =	simm.s32 @!p0 $0x5  }
0xa1: {  	_ =	swait.ge @!p0 [sflag:s0], s1  }
0xa2: {  	s1 =	ssub.s32 @!p0 $0x0, s1;
	[sflag:s0] =	ssyncset.done @!p0 $0x0  }
0xa3: {  	[sflag:s0] =	ssyncadd.s32 @!p0 s1  }
0xa4: {  	[bflag:$0x3] =	sbarrier.arrive $0xFFFF  }
0xa5: {  	_ =	shalt  }

</sc_bundles>
